<compile_context>
chip_gen: v7x
topology: tpu7x:2x2x1
jax: 0.10.2.dev20260603
libtpu: 0.0.44.dev20260713+nightly
codegen_flags: <defaults>
</compile_context>

<pallas_src>
import functools

import jax
import jax.numpy as jnp
from jax import lax
from jax.experimental import pallas as pl
from jax.experimental.pallas import tpu as pltpu
from jax.experimental.pallas import tpu_sc as plsc

_NUM_CHUNKS = 2
_BLK = 128
_SUB = 256
_NUM_WORKERS = 32


def _route_body(w_ref, p0_ref, p1_ref, w0_ref, w1_ref, s_ref, bc_ref):
    w = w_ref[...]
    ch, c = w.shape
    lane = lax.broadcasted_iota(jnp.int32, w.shape, 1)

    m0 = jnp.max(w, axis=1, keepdims=True)
    e0 = jnp.min(jnp.where(w == m0, lane, c), axis=1, keepdims=True)
    oh0 = lane == e0
    w_rest = jnp.where(oh0, -jnp.inf, w)
    m1 = jnp.max(w_rest, axis=1, keepdims=True)
    e1 = jnp.min(jnp.where(w_rest == m1, lane, c), axis=1, keepdims=True)
    oh1 = lane == e1
    denom = jnp.maximum(m0 + m1, 1e-8)
    w0_ref[...] = m0 / denom
    w1_ref[...] = m1 / denom
    s_ref[...] = (m0 + m1) / denom

    cnt = jnp.where(jnp.logical_or(oh0, oh1), 1.0, 0.0)
    ri = lax.broadcasted_iota(jnp.int32, (_SUB, _SUB), 0)
    ci = lax.broadcasted_iota(jnp.int32, (_SUB, _SUB), 1)
    ltri = jnp.where(ri > ci, 1.0, 0.0).astype(jnp.bfloat16)
    parts = []
    base = jnp.zeros((1, c), jnp.float32)
    for j in range(ch // _SUB):
        blk = cnt[j * _SUB:(j + 1) * _SUB]
        ploc = lax.dot_general(
            ltri, blk.astype(jnp.bfloat16),
            dimension_numbers=(((1,), (0,)), ((), ())),
            preferred_element_type=jnp.float32)
        parts.append(ploc + base)
        base = base + jnp.sum(blk, axis=0, keepdims=True)
    pfx = jnp.concatenate(parts, axis=0)
    tot = base

    nblk = jnp.floor((tot + (_BLK - 1)) / _BLK)
    r8 = lax.broadcasted_iota(jnp.int32, (c, c), 0)
    c8 = lax.broadcasted_iota(jnp.int32, (c, c), 1)
    ltri8 = jnp.where(r8 < c8, 1.0, 0.0).astype(jnp.bfloat16)
    cumb = lax.dot_general(
        nblk.astype(jnp.bfloat16), ltri8,
        dimension_numbers=(((1,), (0,)), ((), ())),
        preferred_element_type=jnp.float32)
    segstart = cumb * _BLK

    slot = pfx + segstart
    p0_ref[...] = jnp.sum(jnp.where(oh0, slot, 0.0), axis=1,
                          keepdims=True).astype(jnp.int32)
    p1_ref[...] = jnp.sum(jnp.where(oh1, slot, 0.0), axis=1,
                          keepdims=True).astype(jnp.int32)

    nb64 = bc_ref.shape[1]
    jj = lax.broadcasted_iota(jnp.int32, (c, nb64), 1).astype(jnp.float32)
    cumb_col = jnp.reshape(cumb, (c, 1))
    hits = jnp.where(cumb_col <= jj, 1, 0)
    bc_ref[...] = jnp.clip(jnp.sum(hits, axis=0, keepdims=True) - 1, 0, c - 1)


def _route(wc):
    ch, c = wc.shape
    return pl.pallas_call(
        _route_body,
        grid=(1,),
        in_specs=[pl.BlockSpec((ch, c), lambda i: (0, 0))],
        out_specs=[
            pl.BlockSpec((ch, 1), lambda i: (0, 0)),
            pl.BlockSpec((ch, 1), lambda i: (0, 0)),
            pl.BlockSpec((ch, 1), lambda i: (0, 0)),
            pl.BlockSpec((ch, 1), lambda i: (0, 0)),
            pl.BlockSpec((ch, 1), lambda i: (0, 0)),
            pl.BlockSpec((1, 64), lambda i: (0, 0)),
        ],
        out_shape=[
            jax.ShapeDtypeStruct((ch, 1), jnp.int32),
            jax.ShapeDtypeStruct((ch, 1), jnp.int32),
            jax.ShapeDtypeStruct((ch, 1), jnp.float32),
            jax.ShapeDtypeStruct((ch, 1), jnp.float32),
            jax.ShapeDtypeStruct((ch, 1), jnp.float32),
            jax.ShapeDtypeStruct((1, 64), jnp.int32),
        ],
    )(wc)


def _sc_scatter(qc, p0, p1, npad):
    ch, d = qc.shape
    tpw = ch // _NUM_WORKERS
    mesh = plsc.VectorSubcoreMesh(core_axis_name="c", subcore_axis_name="s")

    @functools.partial(
        pl.kernel, mesh=mesh,
        out_type=jax.ShapeDtypeStruct((npad, d), jnp.float32),
        scratch_types=[
            pltpu.VMEM((tpw,), jnp.int32),
            pltpu.VMEM((tpw, d), jnp.float32),
            pltpu.SemaphoreType.DMA,
        ],
    )
    def scatter_kernel(q_hbm, p0_hbm, p1_hbm, qg_hbm, idx_v, rows_v, sem):
        wid = lax.axis_index("s") * 2 + lax.axis_index("c")
        base = wid * tpw
        pltpu.sync_copy(q_hbm.at[pl.ds(base, tpw)], rows_v)
        pltpu.sync_copy(p0_hbm.at[pl.ds(base, tpw)], idx_v)
        pltpu.async_copy(rows_v, qg_hbm.at[idx_v], sem).wait()
        pltpu.sync_copy(p1_hbm.at[pl.ds(base, tpw)], idx_v)
        pltpu.async_copy(rows_v, qg_hbm.at[idx_v], sem).wait()

    return scatter_kernel(qc, p0, p1)


def _sc_gather(yg, p0, p1, ch):
    npad, d = yg.shape
    tpw = ch // _NUM_WORKERS
    mesh = plsc.VectorSubcoreMesh(core_axis_name="c", subcore_axis_name="s")

    @functools.partial(
        pl.kernel, mesh=mesh,
        out_type=(jax.ShapeDtypeStruct((ch, d), jnp.float32),
                  jax.ShapeDtypeStruct((ch, d), jnp.float32)),
        scratch_types=[
            pltpu.VMEM((tpw,), jnp.int32),
            pltpu.VMEM((tpw, d), jnp.float32),
            pltpu.SemaphoreType.DMA,
        ],
    )
    def gather_kernel(yg_hbm, p0_hbm, p1_hbm, y0_hbm, y1_hbm,
                      idx_v, rows_v, sem):
        wid = lax.axis_index("s") * 2 + lax.axis_index("c")
        base = wid * tpw
        pltpu.sync_copy(p0_hbm.at[pl.ds(base, tpw)], idx_v)
        pltpu.async_copy(yg_hbm.at[idx_v], rows_v, sem).wait()
        pltpu.sync_copy(rows_v, y0_hbm.at[pl.ds(base, tpw)])
        pltpu.sync_copy(p1_hbm.at[pl.ds(base, tpw)], idx_v)
        pltpu.async_copy(yg_hbm.at[idx_v], rows_v, sem).wait()
        pltpu.sync_copy(rows_v, y1_hbm.at[pl.ds(base, tpw)])

    return gather_kernel(yg, p0, p1)


def _gmm_body(bc_ref, qg_ref, e_ref, yg_ref):
    qb = qg_ref[...].astype(jnp.bfloat16)
    yg_ref[...] = lax.dot_general(
        qb, e_ref[0],
        dimension_numbers=(((1,), (1,)), ((), ())),
        preferred_element_type=jnp.float32)


def _gmm(bc, qg, resid):
    npad, d = qg.shape
    nblk = npad // _BLK
    grid_spec = pltpu.PrefetchScalarGridSpec(
        num_scalar_prefetch=1,
        grid=(nblk,),
        in_specs=[
            pl.BlockSpec((_BLK, d), lambda j, bc: (j, 0)),
            pl.BlockSpec((1, d, d), lambda j, bc: (bc[j], 0, 0)),
        ],
        out_specs=pl.BlockSpec((_BLK, d), lambda j, bc: (j, 0)),
    )
    return pl.pallas_call(
        _gmm_body,
        grid_spec=grid_spec,
        out_shape=jax.ShapeDtypeStruct((npad, d), jnp.float32),
        compiler_params=pltpu.CompilerParams(
            dimension_semantics=("arbitrary",),
        ),
    )(bc, qg, resid)


def _combine_body(q_ref, y0_ref, y1_ref, w0_ref, w1_ref, s_ref, o_ref):
    o_ref[...] = (w0_ref[...] * y0_ref[...] + w1_ref[...] * y1_ref[...]
                  - s_ref[...] * q_ref[...])


def _combine(qc, y0, y1, w0, w1, s):
    ch, d = qc.shape
    t = 1024
    return pl.pallas_call(
        _combine_body,
        grid=(ch // t,),
        in_specs=[
            pl.BlockSpec((t, d), lambda i: (i, 0)),
            pl.BlockSpec((t, d), lambda i: (i, 0)),
            pl.BlockSpec((t, d), lambda i: (i, 0)),
            pl.BlockSpec((t, 1), lambda i: (i, 0)),
            pl.BlockSpec((t, 1), lambda i: (i, 0)),
            pl.BlockSpec((t, 1), lambda i: (i, 0)),
        ],
        out_specs=pl.BlockSpec((t, d), lambda i: (i, 0)),
        out_shape=jax.ShapeDtypeStruct((ch, d), jnp.float32),
    )(qc, y0, y1, w0, w1, s)


@jax.jit
def kernel(q, weights, W_stack):
    b, d = q.shape
    c = W_stack.shape[0]
    ch = b // _NUM_CHUNKS
    npad = 2 * ch + c * _BLK
    nblk = npad // _BLK

    resid = (W_stack + jnp.eye(d, dtype=W_stack.dtype)).astype(jnp.bfloat16)

    outs = []
    for cidx in range(_NUM_CHUNKS):
        qc = q[cidx * ch:(cidx + 1) * ch]
        wc = weights[cidx * ch:(cidx + 1) * ch]
        p0, p1, w0, w1, s, bc = _route(wc)
        p0f = p0.reshape(ch)
        p1f = p1.reshape(ch)
        qg = _sc_scatter(qc, p0f, p1f, npad)
        yg = _gmm(bc.reshape(64)[:nblk], qg, resid)
        y0, y1 = _sc_gather(yg, p0f, p1f, ch)
        outs.append(_combine(qc, y0, y1, w0, w1, s))
    return jnp.concatenate(outs, axis=0)

# --- scband reference (transcript-rebuilt; emitter-appended) ---
"""Pipeline reference for scband-port-coupling-36129264894531 (READ-ONLY COPY).

The authoritative reference and input builder live on the scoring server;
editing this copy changes nothing except your own understanding.
"""

import jax, jax.numpy as jnp
import numpy as np

NUM_CHARTS = 8
TOP_K = 2
DIM_Q = 1024
DIM_U = 1024
B = 4096


def setup_inputs(seed: int = 0) -> dict:
    key = jax.random.key(seed)
    kq, kw, kW = jax.random.split(key, 3)
    q = jax.random.normal(kq, (B, DIM_Q), dtype=jnp.float32)
    weights = jax.random.uniform(kw, (B, NUM_CHARTS), dtype=jnp.float32)
    # W_stack initialized as -I + 0.01*randn per chart (dim_q == dim_u)
    eye = jnp.eye(DIM_Q, dtype=jnp.float32)
    W_stack = -eye[None, :, :] + jax.random.normal(kW, (NUM_CHARTS, DIM_U, DIM_Q), dtype=jnp.float32) * 0.01
    return {"q": q, "weights": weights, "W_stack": W_stack}


def reference(q, weights, W_stack):
    # learnable=True, weights provided, 0 < top_k < num_charts, topk_impl='dense', top_k=2
    w_vals, idx = jax.lax.top_k(weights, TOP_K)
    w_norm = w_vals / jnp.maximum(jnp.sum(w_vals, axis=1, keepdims=True), 1e-8)
    b = q.shape[0]
    w_masked = jnp.zeros_like(weights).at[jnp.arange(b)[:, None], idx].set(w_norm)
    Y_all = jnp.einsum('kuq,bq->bku', W_stack, q)
    return jnp.sum(Y_all * w_masked[:, :, None], axis=1)

if __name__ == "__main__":
    import jax
    _d = setup_inputs()
    print(jax.jit(kernel)(*tuple(_d.values())))

</pallas_src>

<mosaic_0001>
#map = affine_map<(d0, d1) -> (0, 0)>
#map1 = affine_map<(d0, d1) -> (0)>
module attributes {stable_mosaic.version = 14 : i64} {
  func.func @gather_kernel(%arg0: i32, %arg1: i32, %arg2: memref<5120x1024xf32, #tpu.memory_space<hbm>>, %arg3: memref<2048xi32, #tpu.memory_space<hbm>>, %arg4: memref<2048xi32, #tpu.memory_space<hbm>>, %arg5: memref<2048x1024xf32, #tpu.memory_space<hbm>>, %arg6: memref<2048x1024xf32, #tpu.memory_space<hbm>>, %arg7: memref<64xi32, #tpu.memory_space<vmem>>, %arg8: memref<64x1024xf32, #tpu.memory_space<vmem>>, %arg9: memref<!tpu.dma_semaphore, #tpu.memory_space<semaphore_mem>>) attributes {dimension_semantics = [#tpu.dimension_semantics<core_parallel>, #tpu.dimension_semantics<subcore_parallel>], iteration_bounds = array<i64: 2, 16>, scalar_prefetch = 0 : i64, scratch_operands = 3 : i64, tpu.core_type = #tpu.core_type<sc_vector_subcore>, window_params = [{transform_indices = #map}, {transform_indices = #map1}, {transform_indices = #map1}, {transform_indices = #map}, {transform_indices = #map}]} {
    %mul3A = arith.constant 2 : i32
    %mul3A_0 = arith.muli %arg1, %mul3A : i32
    %add3A = arith.addi %mul3A_0, %arg0 : i32
    %mul3A_1 = arith.constant 64 : i32
    %mul3A_2 = arith.muli %add3A, %mul3A_1 : i32
    "tpu.region"() ({
      %run_scoped3A = tpu.sem_alloc : memref<!tpu.dma_semaphore, #tpu.memory_space<semaphore_mem>>
      %dma_start3A_13 = tpu.memref_slice %arg3[%mul3A_2] : memref<2048xi32, #tpu.memory_space<hbm>> -> memref<64xi32, #tpu.memory_space<hbm>>
      %dma_start3A_14 = tpu.memref_slice %arg3[%mul3A_2] : memref<2048xi32, #tpu.memory_space<hbm>> -> memref<64xi32, #tpu.memory_space<hbm>>
      tpu.enqueue_dma source(%dma_start3A_14 : memref<64xi32, #tpu.memory_space<hbm>>) target(%arg7 : memref<64xi32, #tpu.memory_space<vmem>>) target_semaphore(%run_scoped3A : memref<!tpu.dma_semaphore, #tpu.memory_space<semaphore_mem>>)
      %dma_wait3A_15 = tpu.memref_slice %arg3[%mul3A_2] : memref<2048xi32, #tpu.memory_space<hbm>> -> memref<64xi32, #tpu.memory_space<hbm>>
      %dma_wait3A_16 = tpu.memref_slice %arg3[%mul3A_2] : memref<2048xi32, #tpu.memory_space<hbm>> -> memref<64xi32, #tpu.memory_space<hbm>>
      tpu.wait_dma2 semaphore(%run_scoped3A : memref<!tpu.dma_semaphore, #tpu.memory_space<semaphore_mem>>) src(%dma_wait3A_16 : memref<64xi32, #tpu.memory_space<hbm>>) dst(%arg7 : memref<64xi32, #tpu.memory_space<vmem>>)
      tpu.yield
    }) : () -> ()
    %dma_start3A = arith.constant 0 : i32
    %dma_start3A_3 = arith.constant 0 : i32
    %dma_start3A_4 = tpu.memref_slice %arg2[%dma_start3A, %dma_start3A_3] : memref<5120x1024xf32, #tpu.memory_space<hbm>> -> memref<5120x1024xf32, #tpu.memory_space<hbm>>
    tpu.enqueue_indirect_dma source(%dma_start3A_4 : memref<5120x1024xf32, #tpu.memory_space<hbm>>) target(%arg8 : memref<64x1024xf32, #tpu.memory_space<vmem>>) offsets(%arg7 : memref<64xi32, #tpu.memory_space<vmem>>) semaphore(%arg9 : memref<!tpu.dma_semaphore, #tpu.memory_space<semaphore_mem>>)
    %dma_wait3A = arith.constant 0 : i32
    %dma_wait3A_5 = arith.constant 0 : i32
    %dma_wait3A_6 = tpu.memref_slice %arg2[%dma_wait3A, %dma_wait3A_5] : memref<5120x1024xf32, #tpu.memory_space<hbm>> -> memref<5120x1024xf32, #tpu.memory_space<hbm>>
    tpu.wait_indirect_dma semaphore(%arg9 : memref<!tpu.dma_semaphore, #tpu.memory_space<semaphore_mem>>) src(%dma_wait3A_6 : memref<5120x1024xf32, #tpu.memory_space<hbm>>) dst(%arg8 : memref<64x1024xf32, #tpu.memory_space<vmem>>)
    "tpu.region"() ({
      %run_scoped3A = tpu.sem_alloc : memref<!tpu.dma_semaphore, #tpu.memory_space<semaphore_mem>>
      %dma_start3A_13 = arith.constant 0 : i32
      %dma_start3A_14 = tpu.memref_slice %arg5[%mul3A_2, %dma_start3A_13] : memref<2048x1024xf32, #tpu.memory_space<hbm>> -> memref<64x1024xf32, #tpu.memory_space<hbm>>
      %dma_start3A_15 = arith.constant 0 : i32
      %dma_start3A_16 = tpu.memref_slice %arg5[%mul3A_2, %dma_start3A_15] : memref<2048x1024xf32, #tpu.memory_space<hbm>> -> memref<64x1024xf32, #tpu.memory_space<hbm>>
      tpu.enqueue_dma source(%arg8 : memref<64x1024xf32, #tpu.memory_space<vmem>>) target(%dma_start3A_16 : memref<64x1024xf32, #tpu.memory_space<hbm>>) target_semaphore(%run_scoped3A : memref<!tpu.dma_semaphore, #tpu.memory_space<semaphore_mem>>)
      %dma_wait3A_17 = arith.constant 0 : i32
      %dma_wait3A_18 = tpu.memref_slice %arg5[%mul3A_2, %dma_wait3A_17] : memref<2048x1024xf32, #tpu.memory_space<hbm>> -> memref<64x1024xf32, #tpu.memory_space<hbm>>
      %dma_wait3A_19 = arith.constant 0 : i32
      %dma_wait3A_20 = tpu.memref_slice %arg5[%mul3A_2, %dma_wait3A_19] : memref<2048x1024xf32, #tpu.memory_space<hbm>> -> memref<64x1024xf32, #tpu.memory_space<hbm>>
      tpu.wait_dma2 semaphore(%run_scoped3A : memref<!tpu.dma_semaphore, #tpu.memory_space<semaphore_mem>>) src(%arg8 : memref<64x1024xf32, #tpu.memory_space<vmem>>) dst(%dma_wait3A_20 : memref<64x1024xf32, #tpu.memory_space<hbm>>)
      tpu.yield
    }) : () -> ()
    "tpu.region"() ({
      %run_scoped3A = tpu.sem_alloc : memref<!tpu.dma_semaphore, #tpu.memory_space<semaphore_mem>>
      %dma_start3A_13 = tpu.memref_slice %arg4[%mul3A_2] : memref<2048xi32, #tpu.memory_space<hbm>> -> memref<64xi32, #tpu.memory_space<hbm>>
      %dma_start3A_14 = tpu.memref_slice %arg4[%mul3A_2] : memref<2048xi32, #tpu.memory_space<hbm>> -> memref<64xi32, #tpu.memory_space<hbm>>
      tpu.enqueue_dma source(%dma_start3A_14 : memref<64xi32, #tpu.memory_space<hbm>>) target(%arg7 : memref<64xi32, #tpu.memory_space<vmem>>) target_semaphore(%run_scoped3A : memref<!tpu.dma_semaphore, #tpu.memory_space<semaphore_mem>>)
      %dma_wait3A_15 = tpu.memref_slice %arg4[%mul3A_2] : memref<2048xi32, #tpu.memory_space<hbm>> -> memref<64xi32, #tpu.memory_space<hbm>>
      %dma_wait3A_16 = tpu.memref_slice %arg4[%mul3A_2] : memref<2048xi32, #tpu.memory_space<hbm>> -> memref<64xi32, #tpu.memory_space<hbm>>
      tpu.wait_dma2 semaphore(%run_scoped3A : memref<!tpu.dma_semaphore, #tpu.memory_space<semaphore_mem>>) src(%dma_wait3A_16 : memref<64xi32, #tpu.memory_space<hbm>>) dst(%arg7 : memref<64xi32, #tpu.memory_space<vmem>>)
      tpu.yield
    }) : () -> ()
    %dma_start3A_7 = arith.constant 0 : i32
    %dma_start3A_8 = arith.constant 0 : i32
    %dma_start3A_9 = tpu.memref_slice %arg2[%dma_start3A_7, %dma_start3A_8] : memref<5120x1024xf32, #tpu.memory_space<hbm>> -> memref<5120x1024xf32, #tpu.memory_space<hbm>>
    tpu.enqueue_indirect_dma source(%dma_start3A_9 : memref<5120x1024xf32, #tpu.memory_space<hbm>>) target(%arg8 : memref<64x1024xf32, #tpu.memory_space<vmem>>) offsets(%arg7 : memref<64xi32, #tpu.memory_space<vmem>>) semaphore(%arg9 : memref<!tpu.dma_semaphore, #tpu.memory_space<semaphore_mem>>)
    %dma_wait3A_10 = arith.constant 0 : i32
    %dma_wait3A_11 = arith.constant 0 : i32
    %dma_wait3A_12 = tpu.memref_slice %arg2[%dma_wait3A_10, %dma_wait3A_11] : memref<5120x1024xf32, #tpu.memory_space<hbm>> -> memref<5120x1024xf32, #tpu.memory_space<hbm>>
    tpu.wait_indirect_dma semaphore(%arg9 : memref<!tpu.dma_semaphore, #tpu.memory_space<semaphore_mem>>) src(%dma_wait3A_12 : memref<5120x1024xf32, #tpu.memory_space<hbm>>) dst(%arg8 : memref<64x1024xf32, #tpu.memory_space<vmem>>)
    "tpu.region"() ({
      %run_scoped3A = tpu.sem_alloc : memref<!tpu.dma_semaphore, #tpu.memory_space<semaphore_mem>>
      %dma_start3A_13 = arith.constant 0 : i32
      %dma_start3A_14 = tpu.memref_slice %arg6[%mul3A_2, %dma_start3A_13] : memref<2048x1024xf32, #tpu.memory_space<hbm>> -> memref<64x1024xf32, #tpu.memory_space<hbm>>
      %dma_start3A_15 = arith.constant 0 : i32
      %dma_start3A_16 = tpu.memref_slice %arg6[%mul3A_2, %dma_start3A_15] : memref<2048x1024xf32, #tpu.memory_space<hbm>> -> memref<64x1024xf32, #tpu.memory_space<hbm>>
      tpu.enqueue_dma source(%arg8 : memref<64x1024xf32, #tpu.memory_space<vmem>>) target(%dma_start3A_16 : memref<64x1024xf32, #tpu.memory_space<hbm>>) target_semaphore(%run_scoped3A : memref<!tpu.dma_semaphore, #tpu.memory_space<semaphore_mem>>)
      %dma_wait3A_17 = arith.constant 0 : i32
      %dma_wait3A_18 = tpu.memref_slice %arg6[%mul3A_2, %dma_wait3A_17] : memref<2048x1024xf32, #tpu.memory_space<hbm>> -> memref<64x1024xf32, #tpu.memory_space<hbm>>
      %dma_wait3A_19 = arith.constant 0 : i32
      %dma_wait3A_20 = tpu.memref_slice %arg6[%mul3A_2, %dma_wait3A_19] : memref<2048x1024xf32, #tpu.memory_space<hbm>> -> memref<64x1024xf32, #tpu.memory_space<hbm>>
      tpu.wait_dma2 semaphore(%run_scoped3A : memref<!tpu.dma_semaphore, #tpu.memory_space<semaphore_mem>>) src(%arg8 : memref<64x1024xf32, #tpu.memory_space<vmem>>) dst(%dma_wait3A_20 : memref<64x1024xf32, #tpu.memory_space<hbm>>)
      tpu.yield
    }) : () -> ()
    return
  }
}

#map = affine_map<(d0, d1) -> (0, 0)>
#map1 = affine_map<(d0, d1) -> (0)>
module attributes {stable_mosaic.version = 14 : i64} {
  func.func @scatter_kernel(%arg0: i32, %arg1: i32, %arg2: memref<2048x1024xf32, #tpu.memory_space<hbm>>, %arg3: memref<2048xi32, #tpu.memory_space<hbm>>, %arg4: memref<2048xi32, #tpu.memory_space<hbm>>, %arg5: memref<5120x1024xf32, #tpu.memory_space<hbm>>, %arg6: memref<64xi32, #tpu.memory_space<vmem>>, %arg7: memref<64x1024xf32, #tpu.memory_space<vmem>>, %arg8: memref<!tpu.dma_semaphore, #tpu.memory_space<semaphore_mem>>) attributes {dimension_semantics = [#tpu.dimension_semantics<core_parallel>, #tpu.dimension_semantics<subcore_parallel>], iteration_bounds = array<i64: 2, 16>, scalar_prefetch = 0 : i64, scratch_operands = 3 : i64, tpu.core_type = #tpu.core_type<sc_vector_subcore>, window_params = [{transform_indices = #map}, {transform_indices = #map1}, {transform_indices = #map1}, {transform_indices = #map}]} {
    %mul3A = arith.constant 2 : i32
    %mul3A_0 = arith.muli %arg1, %mul3A : i32
    %add3A = arith.addi %mul3A_0, %arg0 : i32
    %mul3A_1 = arith.constant 64 : i32
    %mul3A_2 = arith.muli %add3A, %mul3A_1 : i32
    "tpu.region"() ({
      %run_scoped3A = tpu.sem_alloc : memref<!tpu.dma_semaphore, #tpu.memory_space<semaphore_mem>>
      %dma_start3A_13 = arith.constant 0 : i32
      %dma_start3A_14 = tpu.memref_slice %arg2[%mul3A_2, %dma_start3A_13] : memref<2048x1024xf32, #tpu.memory_space<hbm>> -> memref<64x1024xf32, #tpu.memory_space<hbm>>
      %dma_start3A_15 = arith.constant 0 : i32
      %dma_start3A_16 = tpu.memref_slice %arg2[%mul3A_2, %dma_start3A_15] : memref<2048x1024xf32, #tpu.memory_space<hbm>> -> memref<64x1024xf32, #tpu.memory_space<hbm>>
      tpu.enqueue_dma source(%dma_start3A_16 : memref<64x1024xf32, #tpu.memory_space<hbm>>) target(%arg7 : memref<64x1024xf32, #tpu.memory_space<vmem>>) target_semaphore(%run_scoped3A : memref<!tpu.dma_semaphore, #tpu.memory_space<semaphore_mem>>)
      %dma_wait3A_17 = arith.constant 0 : i32
      %dma_wait3A_18 = tpu.memref_slice %arg2[%mul3A_2, %dma_wait3A_17] : memref<2048x1024xf32, #tpu.memory_space<hbm>> -> memref<64x1024xf32, #tpu.memory_space<hbm>>
      %dma_wait3A_19 = arith.constant 0 : i32
      %dma_wait3A_20 = tpu.memref_slice %arg2[%mul3A_2, %dma_wait3A_19] : memref<2048x1024xf32, #tpu.memory_space<hbm>> -> memref<64x1024xf32, #tpu.memory_space<hbm>>
      tpu.wait_dma2 semaphore(%run_scoped3A : memref<!tpu.dma_semaphore, #tpu.memory_space<semaphore_mem>>) src(%dma_wait3A_20 : memref<64x1024xf32, #tpu.memory_space<hbm>>) dst(%arg7 : memref<64x1024xf32, #tpu.memory_space<vmem>>)
      tpu.yield
    }) : () -> ()
    "tpu.region"() ({
      %run_scoped3A = tpu.sem_alloc : memref<!tpu.dma_semaphore, #tpu.memory_space<semaphore_mem>>
      %dma_start3A_13 = tpu.memref_slice %arg3[%mul3A_2] : memref<2048xi32, #tpu.memory_space<hbm>> -> memref<64xi32, #tpu.memory_space<hbm>>
      %dma_start3A_14 = tpu.memref_slice %arg3[%mul3A_2] : memref<2048xi32, #tpu.memory_space<hbm>> -> memref<64xi32, #tpu.memory_space<hbm>>
      tpu.enqueue_dma source(%dma_start3A_14 : memref<64xi32, #tpu.memory_space<hbm>>) target(%arg6 : memref<64xi32, #tpu.memory_space<vmem>>) target_semaphore(%run_scoped3A : memref<!tpu.dma_semaphore, #tpu.memory_space<semaphore_mem>>)
      %dma_wait3A_15 = tpu.memref_slice %arg3[%mul3A_2] : memref<2048xi32, #tpu.memory_space<hbm>> -> memref<64xi32, #tpu.memory_space<hbm>>
      %dma_wait3A_16 = tpu.memref_slice %arg3[%mul3A_2] : memref<2048xi32, #tpu.memory_space<hbm>> -> memref<64xi32, #tpu.memory_space<hbm>>
      tpu.wait_dma2 semaphore(%run_scoped3A : memref<!tpu.dma_semaphore, #tpu.memory_space<semaphore_mem>>) src(%dma_wait3A_16 : memref<64xi32, #tpu.memory_space<hbm>>) dst(%arg6 : memref<64xi32, #tpu.memory_space<vmem>>)
      tpu.yield
    }) : () -> ()
    %dma_start3A = arith.constant 0 : i32
    %dma_start3A_3 = arith.constant 0 : i32
    %dma_start3A_4 = tpu.memref_slice %arg5[%dma_start3A, %dma_start3A_3] : memref<5120x1024xf32, #tpu.memory_space<hbm>> -> memref<5120x1024xf32, #tpu.memory_space<hbm>>
    tpu.enqueue_indirect_dma source(%arg7 : memref<64x1024xf32, #tpu.memory_space<vmem>>) target(%dma_start3A_4 : memref<5120x1024xf32, #tpu.memory_space<hbm>>) offsets(%arg6 : memref<64xi32, #tpu.memory_space<vmem>>) semaphore(%arg8 : memref<!tpu.dma_semaphore, #tpu.memory_space<semaphore_mem>>)
    %dma_wait3A = arith.constant 0 : i32
    %dma_wait3A_5 = arith.constant 0 : i32
    %dma_wait3A_6 = tpu.memref_slice %arg5[%dma_wait3A, %dma_wait3A_5] : memref<5120x1024xf32, #tpu.memory_space<hbm>> -> memref<5120x1024xf32, #tpu.memory_space<hbm>>
    tpu.wait_indirect_dma semaphore(%arg8 : memref<!tpu.dma_semaphore, #tpu.memory_space<semaphore_mem>>) src(%arg7 : memref<64x1024xf32, #tpu.memory_space<vmem>>) dst(%dma_wait3A_6 : memref<5120x1024xf32, #tpu.memory_space<hbm>>)
    "tpu.region"() ({
      %run_scoped3A = tpu.sem_alloc : memref<!tpu.dma_semaphore, #tpu.memory_space<semaphore_mem>>
      %dma_start3A_13 = tpu.memref_slice %arg4[%mul3A_2] : memref<2048xi32, #tpu.memory_space<hbm>> -> memref<64xi32, #tpu.memory_space<hbm>>
      %dma_start3A_14 = tpu.memref_slice %arg4[%mul3A_2] : memref<2048xi32, #tpu.memory_space<hbm>> -> memref<64xi32, #tpu.memory_space<hbm>>
      tpu.enqueue_dma source(%dma_start3A_14 : memref<64xi32, #tpu.memory_space<hbm>>) target(%arg6 : memref<64xi32, #tpu.memory_space<vmem>>) target_semaphore(%run_scoped3A : memref<!tpu.dma_semaphore, #tpu.memory_space<semaphore_mem>>)
      %dma_wait3A_15 = tpu.memref_slice %arg4[%mul3A_2] : memref<2048xi32, #tpu.memory_space<hbm>> -> memref<64xi32, #tpu.memory_space<hbm>>
      %dma_wait3A_16 = tpu.memref_slice %arg4[%mul3A_2] : memref<2048xi32, #tpu.memory_space<hbm>> -> memref<64xi32, #tpu.memory_space<hbm>>
      tpu.wait_dma2 semaphore(%run_scoped3A : memref<!tpu.dma_semaphore, #tpu.memory_space<semaphore_mem>>) src(%dma_wait3A_16 : memref<64xi32, #tpu.memory_space<hbm>>) dst(%arg6 : memref<64xi32, #tpu.memory_space<vmem>>)
      tpu.yield
    }) : () -> ()
    %dma_start3A_7 = arith.constant 0 : i32
    %dma_start3A_8 = arith.constant 0 : i32
    %dma_start3A_9 = tpu.memref_slice %arg5[%dma_start3A_7, %dma_start3A_8] : memref<5120x1024xf32, #tpu.memory_space<hbm>> -> memref<5120x1024xf32, #tpu.memory_space<hbm>>
    tpu.enqueue_indirect_dma source(%arg7 : memref<64x1024xf32, #tpu.memory_space<vmem>>) target(%dma_start3A_9 : memref<5120x1024xf32, #tpu.memory_space<hbm>>) offsets(%arg6 : memref<64xi32, #tpu.memory_space<vmem>>) semaphore(%arg8 : memref<!tpu.dma_semaphore, #tpu.memory_space<semaphore_mem>>)
    %dma_wait3A_10 = arith.constant 0 : i32
    %dma_wait3A_11 = arith.constant 0 : i32
    %dma_wait3A_12 = tpu.memref_slice %arg5[%dma_wait3A_10, %dma_wait3A_11] : memref<5120x1024xf32, #tpu.memory_space<hbm>> -> memref<5120x1024xf32, #tpu.memory_space<hbm>>
    tpu.wait_indirect_dma semaphore(%arg8 : memref<!tpu.dma_semaphore, #tpu.memory_space<semaphore_mem>>) src(%arg7 : memref<64x1024xf32, #tpu.memory_space<vmem>>) dst(%dma_wait3A_12 : memref<5120x1024xf32, #tpu.memory_space<hbm>>)
    return
  }
}

#map = affine_map<(d0, d1) -> (0, 0)>
#map1 = affine_map<(d0, d1) -> (0)>
module attributes {stable_mosaic.version = 14 : i64} {
  func.func @gather_kernel(%arg0: i32, %arg1: i32, %arg2: memref<5120x1024xf32, #tpu.memory_space<hbm>>, %arg3: memref<2048xi32, #tpu.memory_space<hbm>>, %arg4: memref<2048xi32, #tpu.memory_space<hbm>>, %arg5: memref<2048x1024xf32, #tpu.memory_space<hbm>>, %arg6: memref<2048x1024xf32, #tpu.memory_space<hbm>>, %arg7: memref<64xi32, #tpu.memory_space<vmem>>, %arg8: memref<64x1024xf32, #tpu.memory_space<vmem>>, %arg9: memref<!tpu.dma_semaphore, #tpu.memory_space<semaphore_mem>>) attributes {dimension_semantics = [#tpu.dimension_semantics<core_parallel>, #tpu.dimension_semantics<subcore_parallel>], iteration_bounds = array<i64: 2, 16>, scalar_prefetch = 0 : i64, scratch_operands = 3 : i64, tpu.core_type = #tpu.core_type<sc_vector_subcore>, window_params = [{transform_indices = #map}, {transform_indices = #map1}, {transform_indices = #map1}, {transform_indices = #map}, {transform_indices = #map}]} {
    %mul3A = arith.constant 2 : i32
    %mul3A_0 = arith.muli %arg1, %mul3A : i32
    %add3A = arith.addi %mul3A_0, %arg0 : i32
    %mul3A_1 = arith.constant 64 : i32
    %mul3A_2 = arith.muli %add3A, %mul3A_1 : i32
    "tpu.region"() ({
      %run_scoped3A = tpu.sem_alloc : memref<!tpu.dma_semaphore, #tpu.memory_space<semaphore_mem>>
      %dma_start3A_13 = tpu.memref_slice %arg3[%mul3A_2] : memref<2048xi32, #tpu.memory_space<hbm>> -> memref<64xi32, #tpu.memory_space<hbm>>
      %dma_start3A_14 = tpu.memref_slice %arg3[%mul3A_2] : memref<2048xi32, #tpu.memory_space<hbm>> -> memref<64xi32, #tpu.memory_space<hbm>>
      tpu.enqueue_dma source(%dma_start3A_14 : memref<64xi32, #tpu.memory_space<hbm>>) target(%arg7 : memref<64xi32, #tpu.memory_space<vmem>>) target_semaphore(%run_scoped3A : memref<!tpu.dma_semaphore, #tpu.memory_space<semaphore_mem>>)
      %dma_wait3A_15 = tpu.memref_slice %arg3[%mul3A_2] : memref<2048xi32, #tpu.memory_space<hbm>> -> memref<64xi32, #tpu.memory_space<hbm>>
      %dma_wait3A_16 = tpu.memref_slice %arg3[%mul3A_2] : memref<2048xi32, #tpu.memory_space<hbm>> -> memref<64xi32, #tpu.memory_space<hbm>>
      tpu.wait_dma2 semaphore(%run_scoped3A : memref<!tpu.dma_semaphore, #tpu.memory_space<semaphore_mem>>) src(%dma_wait3A_16 : memref<64xi32, #tpu.memory_space<hbm>>) dst(%arg7 : memref<64xi32, #tpu.memory_space<vmem>>)
      tpu.yield
    }) : () -> ()
    %dma_start3A = arith.constant 0 : i32
    %dma_start3A_3 = arith.constant 0 : i32
    %dma_start3A_4 = tpu.memref_slice %arg2[%dma_start3A, %dma_start3A_3] : memref<5120x1024xf32, #tpu.memory_space<hbm>> -> memref<5120x1024xf32, #tpu.memory_space<hbm>>
    tpu.enqueue_indirect_dma source(%dma_start3A_4 : memref<5120x1024xf32, #tpu.memory_space<hbm>>) target(%arg8 : memref<64x1024xf32, #tpu.memory_space<vmem>>) offsets(%arg7 : memref<64xi32, #tpu.memory_space<vmem>>) semaphore(%arg9 : memref<!tpu.dma_semaphore, #tpu.memory_space<semaphore_mem>>)
    %dma_wait3A = arith.constant 0 : i32
    %dma_wait3A_5 = arith.constant 0 : i32
    %dma_wait3A_6 = tpu.memref_slice %arg2[%dma_wait3A, %dma_wait3A_5] : memref<5120x1024xf32, #tpu.memory_space<hbm>> -> memref<5120x1024xf32, #tpu.memory_space<hbm>>
    tpu.wait_indirect_dma semaphore(%arg9 : memref<!tpu.dma_semaphore, #tpu.memory_space<semaphore_mem>>) src(%dma_wait3A_6 : memref<5120x1024xf32, #tpu.memory_space<hbm>>) dst(%arg8 : memref<64x1024xf32, #tpu.memory_space<vmem>>)
    "tpu.region"() ({
      %run_scoped3A = tpu.sem_alloc : memref<!tpu.dma_semaphore, #tpu.memory_space<semaphore_mem>>
      %dma_start3A_13 = arith.constant 0 : i32
      %dma_start3A_14 = tpu.memref_slice %arg5[%mul3A_2, %dma_start3A_13] : memref<2048x1024xf32, #tpu.memory_space<hbm>> -> memref<64x1024xf32, #tpu.memory_space<hbm>>
      %dma_start3A_15 = arith.constant 0 : i32
      %dma_start3A_16 = tpu.memref_slice %arg5[%mul3A_2, %dma_start3A_15] : memref<2048x1024xf32, #tpu.memory_space<hbm>> -> memref<64x1024xf32, #tpu.memory_space<hbm>>
      tpu.enqueue_dma source(%arg8 : memref<64x1024xf32, #tpu.memory_space<vmem>>) target(%dma_start3A_16 : memref<64x1024xf32, #tpu.memory_space<hbm>>) target_semaphore(%run_scoped3A : memref<!tpu.dma_semaphore, #tpu.memory_space<semaphore_mem>>)
      %dma_wait3A_17 = arith.constant 0 : i32
      %dma_wait3A_18 = tpu.memref_slice %arg5[%mul3A_2, %dma_wait3A_17] : memref<2048x1024xf32, #tpu.memory_space<hbm>> -> memref<64x1024xf32, #tpu.memory_space<hbm>>
      %dma_wait3A_19 = arith.constant 0 : i32
      %dma_wait3A_20 = tpu.memref_slice %arg5[%mul3A_2, %dma_wait3A_19] : memref<2048x1024xf32, #tpu.memory_space<hbm>> -> memref<64x1024xf32, #tpu.memory_space<hbm>>
      tpu.wait_dma2 semaphore(%run_scoped3A : memref<!tpu.dma_semaphore, #tpu.memory_space<semaphore_mem>>) src(%arg8 : memref<64x1024xf32, #tpu.memory_space<vmem>>) dst(%dma_wait3A_20 : memref<64x1024xf32, #tpu.memory_space<hbm>>)
      tpu.yield
    }) : () -> ()
    "tpu.region"() ({
      %run_scoped3A = tpu.sem_alloc : memref<!tpu.dma_semaphore, #tpu.memory_space<semaphore_mem>>
      %dma_start3A_13 = tpu.memref_slice %arg4[%mul3A_2] : memref<2048xi32, #tpu.memory_space<hbm>> -> memref<64xi32, #tpu.memory_space<hbm>>
      %dma_start3A_14 = tpu.memref_slice %arg4[%mul3A_2] : memref<2048xi32, #tpu.memory_space<hbm>> -> memref<64xi32, #tpu.memory_space<hbm>>
      tpu.enqueue_dma source(%dma_start3A_14 : memref<64xi32, #tpu.memory_space<hbm>>) target(%arg7 : memref<64xi32, #tpu.memory_space<vmem>>) target_semaphore(%run_scoped3A : memref<!tpu.dma_semaphore, #tpu.memory_space<semaphore_mem>>)
      %dma_wait3A_15 = tpu.memref_slice %arg4[%mul3A_2] : memref<2048xi32, #tpu.memory_space<hbm>> -> memref<64xi32, #tpu.memory_space<hbm>>
      %dma_wait3A_16 = tpu.memref_slice %arg4[%mul3A_2] : memref<2048xi32, #tpu.memory_space<hbm>> -> memref<64xi32, #tpu.memory_space<hbm>>
      tpu.wait_dma2 semaphore(%run_scoped3A : memref<!tpu.dma_semaphore, #tpu.memory_space<semaphore_mem>>) src(%dma_wait3A_16 : memref<64xi32, #tpu.memory_space<hbm>>) dst(%arg7 : memref<64xi32, #tpu.memory_space<vmem>>)
      tpu.yield
    }) : () -> ()
    %dma_start3A_7 = arith.constant 0 : i32
    %dma_start3A_8 = arith.constant 0 : i32
    %dma_start3A_9 = tpu.memref_slice %arg2[%dma_start3A_7, %dma_start3A_8] : memref<5120x1024xf32, #tpu.memory_space<hbm>> -> memref<5120x1024xf32, #tpu.memory_space<hbm>>
    tpu.enqueue_indirect_dma source(%dma_start3A_9 : memref<5120x1024xf32, #tpu.memory_space<hbm>>) target(%arg8 : memref<64x1024xf32, #tpu.memory_space<vmem>>) offsets(%arg7 : memref<64xi32, #tpu.memory_space<vmem>>) semaphore(%arg9 : memref<!tpu.dma_semaphore, #tpu.memory_space<semaphore_mem>>)
    %dma_wait3A_10 = arith.constant 0 : i32
    %dma_wait3A_11 = arith.constant 0 : i32
    %dma_wait3A_12 = tpu.memref_slice %arg2[%dma_wait3A_10, %dma_wait3A_11] : memref<5120x1024xf32, #tpu.memory_space<hbm>> -> memref<5120x1024xf32, #tpu.memory_space<hbm>>
    tpu.wait_indirect_dma semaphore(%arg9 : memref<!tpu.dma_semaphore, #tpu.memory_space<semaphore_mem>>) src(%dma_wait3A_12 : memref<5120x1024xf32, #tpu.memory_space<hbm>>) dst(%arg8 : memref<64x1024xf32, #tpu.memory_space<vmem>>)
    "tpu.region"() ({
      %run_scoped3A = tpu.sem_alloc : memref<!tpu.dma_semaphore, #tpu.memory_space<semaphore_mem>>
      %dma_start3A_13 = arith.constant 0 : i32
      %dma_start3A_14 = tpu.memref_slice %arg6[%mul3A_2, %dma_start3A_13] : memref<2048x1024xf32, #tpu.memory_space<hbm>> -> memref<64x1024xf32, #tpu.memory_space<hbm>>
      %dma_start3A_15 = arith.constant 0 : i32
      %dma_start3A_16 = tpu.memref_slice %arg6[%mul3A_2, %dma_start3A_15] : memref<2048x1024xf32, #tpu.memory_space<hbm>> -> memref<64x1024xf32, #tpu.memory_space<hbm>>
      tpu.enqueue_dma source(%arg8 : memref<64x1024xf32, #tpu.memory_space<vmem>>) target(%dma_start3A_16 : memref<64x1024xf32, #tpu.memory_space<hbm>>) target_semaphore(%run_scoped3A : memref<!tpu.dma_semaphore, #tpu.memory_space<semaphore_mem>>)
      %dma_wait3A_17 = arith.constant 0 : i32
      %dma_wait3A_18 = tpu.memref_slice %arg6[%mul3A_2, %dma_wait3A_17] : memref<2048x1024xf32, #tpu.memory_space<hbm>> -> memref<64x1024xf32, #tpu.memory_space<hbm>>
      %dma_wait3A_19 = arith.constant 0 : i32
      %dma_wait3A_20 = tpu.memref_slice %arg6[%mul3A_2, %dma_wait3A_19] : memref<2048x1024xf32, #tpu.memory_space<hbm>> -> memref<64x1024xf32, #tpu.memory_space<hbm>>
      tpu.wait_dma2 semaphore(%run_scoped3A : memref<!tpu.dma_semaphore, #tpu.memory_space<semaphore_mem>>) src(%arg8 : memref<64x1024xf32, #tpu.memory_space<vmem>>) dst(%dma_wait3A_20 : memref<64x1024xf32, #tpu.memory_space<hbm>>)
      tpu.yield
    }) : () -> ()
    return
  }
}

#map = affine_map<(d0, d1) -> (0, 0)>
#map1 = affine_map<(d0, d1) -> (0)>
module attributes {stable_mosaic.version = 14 : i64} {
  func.func @scatter_kernel(%arg0: i32, %arg1: i32, %arg2: memref<2048x1024xf32, #tpu.memory_space<hbm>>, %arg3: memref<2048xi32, #tpu.memory_space<hbm>>, %arg4: memref<2048xi32, #tpu.memory_space<hbm>>, %arg5: memref<5120x1024xf32, #tpu.memory_space<hbm>>, %arg6: memref<64xi32, #tpu.memory_space<vmem>>, %arg7: memref<64x1024xf32, #tpu.memory_space<vmem>>, %arg8: memref<!tpu.dma_semaphore, #tpu.memory_space<semaphore_mem>>) attributes {dimension_semantics = [#tpu.dimension_semantics<core_parallel>, #tpu.dimension_semantics<subcore_parallel>], iteration_bounds = array<i64: 2, 16>, scalar_prefetch = 0 : i64, scratch_operands = 3 : i64, tpu.core_type = #tpu.core_type<sc_vector_subcore>, window_params = [{transform_indices = #map}, {transform_indices = #map1}, {transform_indices = #map1}, {transform_indices = #map}]} {
    %mul3A = arith.constant 2 : i32
    %mul3A_0 = arith.muli %arg1, %mul3A : i32
    %add3A = arith.addi %mul3A_0, %arg0 : i32
    %mul3A_1 = arith.constant 64 : i32
    %mul3A_2 = arith.muli %add3A, %mul3A_1 : i32
    "tpu.region"() ({
      %run_scoped3A = tpu.sem_alloc : memref<!tpu.dma_semaphore, #tpu.memory_space<semaphore_mem>>
      %dma_start3A_13 = arith.constant 0 : i32
      %dma_start3A_14 = tpu.memref_slice %arg2[%mul3A_2, %dma_start3A_13] : memref<2048x1024xf32, #tpu.memory_space<hbm>> -> memref<64x1024xf32, #tpu.memory_space<hbm>>
      %dma_start3A_15 = arith.constant 0 : i32
      %dma_start3A_16 = tpu.memref_slice %arg2[%mul3A_2, %dma_start3A_15] : memref<2048x1024xf32, #tpu.memory_space<hbm>> -> memref<64x1024xf32, #tpu.memory_space<hbm>>
      tpu.enqueue_dma source(%dma_start3A_16 : memref<64x1024xf32, #tpu.memory_space<hbm>>) target(%arg7 : memref<64x1024xf32, #tpu.memory_space<vmem>>) target_semaphore(%run_scoped3A : memref<!tpu.dma_semaphore, #tpu.memory_space<semaphore_mem>>)
      %dma_wait3A_17 = arith.constant 0 : i32
      %dma_wait3A_18 = tpu.memref_slice %arg2[%mul3A_2, %dma_wait3A_17] : memref<2048x1024xf32, #tpu.memory_space<hbm>> -> memref<64x1024xf32, #tpu.memory_space<hbm>>
      %dma_wait3A_19 = arith.constant 0 : i32
      %dma_wait3A_20 = tpu.memref_slice %arg2[%mul3A_2, %dma_wait3A_19] : memref<2048x1024xf32, #tpu.memory_space<hbm>> -> memref<64x1024xf32, #tpu.memory_space<hbm>>
      tpu.wait_dma2 semaphore(%run_scoped3A : memref<!tpu.dma_semaphore, #tpu.memory_space<semaphore_mem>>) src(%dma_wait3A_20 : memref<64x1024xf32, #tpu.memory_space<hbm>>) dst(%arg7 : memref<64x1024xf32, #tpu.memory_space<vmem>>)
      tpu.yield
    }) : () -> ()
    "tpu.region"() ({
      %run_scoped3A = tpu.sem_alloc : memref<!tpu.dma_semaphore, #tpu.memory_space<semaphore_mem>>
      %dma_start3A_13 = tpu.memref_slice %arg3[%mul3A_2] : memref<2048xi32, #tpu.memory_space<hbm>> -> memref<64xi32, #tpu.memory_space<hbm>>
      %dma_start3A_14 = tpu.memref_slice %arg3[%mul3A_2] : memref<2048xi32, #tpu.memory_space<hbm>> -> memref<64xi32, #tpu.memory_space<hbm>>
      tpu.enqueue_dma source(%dma_start3A_14 : memref<64xi32, #tpu.memory_space<hbm>>) target(%arg6 : memref<64xi32, #tpu.memory_space<vmem>>) target_semaphore(%run_scoped3A : memref<!tpu.dma_semaphore, #tpu.memory_space<semaphore_mem>>)
      %dma_wait3A_15 = tpu.memref_slice %arg3[%mul3A_2] : memref<2048xi32, #tpu.memory_space<hbm>> -> memref<64xi32, #tpu.memory_space<hbm>>
      %dma_wait3A_16 = tpu.memref_slice %arg3[%mul3A_2] : memref<2048xi32, #tpu.memory_space<hbm>> -> memref<64xi32, #tpu.memory_space<hbm>>
      tpu.wait_dma2 semaphore(%run_scoped3A : memref<!tpu.dma_semaphore, #tpu.memory_space<semaphore_mem>>) src(%dma_wait3A_16 : memref<64xi32, #tpu.memory_space<hbm>>) dst(%arg6 : memref<64xi32, #tpu.memory_space<vmem>>)
      tpu.yield
    }) : () -> ()
    %dma_start3A = arith.constant 0 : i32
    %dma_start3A_3 = arith.constant 0 : i32
    %dma_start3A_4 = tpu.memref_slice %arg5[%dma_start3A, %dma_start3A_3] : memref<5120x1024xf32, #tpu.memory_space<hbm>> -> memref<5120x1024xf32, #tpu.memory_space<hbm>>
    tpu.enqueue_indirect_dma source(%arg7 : memref<64x1024xf32, #tpu.memory_space<vmem>>) target(%dma_start3A_4 : memref<5120x1024xf32, #tpu.memory_space<hbm>>) offsets(%arg6 : memref<64xi32, #tpu.memory_space<vmem>>) semaphore(%arg8 : memref<!tpu.dma_semaphore, #tpu.memory_space<semaphore_mem>>)
    %dma_wait3A = arith.constant 0 : i32
    %dma_wait3A_5 = arith.constant 0 : i32
    %dma_wait3A_6 = tpu.memref_slice %arg5[%dma_wait3A, %dma_wait3A_5] : memref<5120x1024xf32, #tpu.memory_space<hbm>> -> memref<5120x1024xf32, #tpu.memory_space<hbm>>
    tpu.wait_indirect_dma semaphore(%arg8 : memref<!tpu.dma_semaphore, #tpu.memory_space<semaphore_mem>>) src(%arg7 : memref<64x1024xf32, #tpu.memory_space<vmem>>) dst(%dma_wait3A_6 : memref<5120x1024xf32, #tpu.memory_space<hbm>>)
    "tpu.region"() ({
      %run_scoped3A = tpu.sem_alloc : memref<!tpu.dma_semaphore, #tpu.memory_space<semaphore_mem>>
      %dma_start3A_13 = tpu.memref_slice %arg4[%mul3A_2] : memref<2048xi32, #tpu.memory_space<hbm>> -> memref<64xi32, #tpu.memory_space<hbm>>
      %dma_start3A_14 = tpu.memref_slice %arg4[%mul3A_2] : memref<2048xi32, #tpu.memory_space<hbm>> -> memref<64xi32, #tpu.memory_space<hbm>>
      tpu.enqueue_dma source(%dma_start3A_14 : memref<64xi32, #tpu.memory_space<hbm>>) target(%arg6 : memref<64xi32, #tpu.memory_space<vmem>>) target_semaphore(%run_scoped3A : memref<!tpu.dma_semaphore, #tpu.memory_space<semaphore_mem>>)
      %dma_wait3A_15 = tpu.memref_slice %arg4[%mul3A_2] : memref<2048xi32, #tpu.memory_space<hbm>> -> memref<64xi32, #tpu.memory_space<hbm>>
      %dma_wait3A_16 = tpu.memref_slice %arg4[%mul3A_2] : memref<2048xi32, #tpu.memory_space<hbm>> -> memref<64xi32, #tpu.memory_space<hbm>>
      tpu.wait_dma2 semaphore(%run_scoped3A : memref<!tpu.dma_semaphore, #tpu.memory_space<semaphore_mem>>) src(%dma_wait3A_16 : memref<64xi32, #tpu.memory_space<hbm>>) dst(%arg6 : memref<64xi32, #tpu.memory_space<vmem>>)
      tpu.yield
    }) : () -> ()
    %dma_start3A_7 = arith.constant 0 : i32
    %dma_start3A_8 = arith.constant 0 : i32
    %dma_start3A_9 = tpu.memref_slice %arg5[%dma_start3A_7, %dma_start3A_8] : memref<5120x1024xf32, #tpu.memory_space<hbm>> -> memref<5120x1024xf32, #tpu.memory_space<hbm>>
    tpu.enqueue_indirect_dma source(%arg7 : memref<64x1024xf32, #tpu.memory_space<vmem>>) target(%dma_start3A_9 : memref<5120x1024xf32, #tpu.memory_space<hbm>>) offsets(%arg6 : memref<64xi32, #tpu.memory_space<vmem>>) semaphore(%arg8 : memref<!tpu.dma_semaphore, #tpu.memory_space<semaphore_mem>>)
    %dma_wait3A_10 = arith.constant 0 : i32
    %dma_wait3A_11 = arith.constant 0 : i32
    %dma_wait3A_12 = tpu.memref_slice %arg5[%dma_wait3A_10, %dma_wait3A_11] : memref<5120x1024xf32, #tpu.memory_space<hbm>> -> memref<5120x1024xf32, #tpu.memory_space<hbm>>
    tpu.wait_indirect_dma semaphore(%arg8 : memref<!tpu.dma_semaphore, #tpu.memory_space<semaphore_mem>>) src(%arg7 : memref<64x1024xf32, #tpu.memory_space<vmem>>) dst(%dma_wait3A_12 : memref<5120x1024xf32, #tpu.memory_space<hbm>>)
    return
  }
}

module attributes {stable_mosaic.version = 14 : i64} {
  func.func @_route_body(%arg0: i32, %arg1: memref<2048x8xf32, #tpu.memory_space<vmem>>, %arg2: memref<2048x1xi32, #tpu.memory_space<vmem>>, %arg3: memref<2048x1xi32, #tpu.memory_space<vmem>>, %arg4: memref<2048x1xf32, #tpu.memory_space<vmem>>, %arg5: memref<2048x1xf32, #tpu.memory_space<vmem>>, %arg6: memref<2048x1xf32, #tpu.memory_space<vmem>>, %arg7: memref<1x64xi32, #tpu.memory_space<vmem>>) attributes {dimension_semantics = [#tpu.dimension_semantics<arbitrary>], iteration_bounds = array<i64: 1>, scalar_prefetch = 0 : i64, scratch_operands = 0 : i64, tpu.core_type = #tpu.core_type<tc>, window_params = [{pipeline_mode = #tpu.pipeline_mode<synchronous>, transform_indices = @transform_0, window_bounds = array<i64: 2048, 8>}, {pipeline_mode = #tpu.pipeline_mode<synchronous>, transform_indices = @transform_1, window_bounds = array<i64: 2048, 1>}, {pipeline_mode = #tpu.pipeline_mode<synchronous>, transform_indices = @transform_2, window_bounds = array<i64: 2048, 1>}, {pipeline_mode = #tpu.pipeline_mode<synchronous>, transform_indices = @transform_3, window_bounds = array<i64: 2048, 1>}, {pipeline_mode = #tpu.pipeline_mode<synchronous>, transform_indices = @transform_4, window_bounds = array<i64: 2048, 1>}, {pipeline_mode = #tpu.pipeline_mode<synchronous>, transform_indices = @transform_5, window_bounds = array<i64: 2048, 1>}, {pipeline_mode = #tpu.pipeline_mode<synchronous>, transform_indices = @transform_6, window_bounds = array<i64: 1, 64>}]} {
    %get3A = arith.constant 0 : index
    %get3A_0 = arith.constant 0 : index
    %get3A_1 = vector.load %arg1[%get3A, %get3A_0] : memref<2048x8xf32, #tpu.memory_space<vmem>>, vector<2048x8xf32>
    %iota3A = tpu.iota {dimensions = array<i32: 1>} : vector<2048x8xi32>
    %reduce_max3A = arith.constant dense<0xFF800000> : vector<2048xf32>
    %reduce_max3A_2 = vector.multi_reduction <maximumf>, %get3A_1, %reduce_max3A [1] : vector<2048x8xf32> to vector<2048xf32>
    %broadcast_in_dim3A = vector.shape_cast %reduce_max3A_2 : vector<2048xf32> to vector<2048x1xf32>
    %eq3A = vector.broadcast %broadcast_in_dim3A : vector<2048x1xf32> to vector<2048x8xf32>
    %eq3A_3 = arith.cmpf oeq, %get3A_1, %eq3A : vector<2048x8xf32>
    %jit3A = arith.constant 8 : i32
    %broadcast_in_dim3A_4 = vector.broadcast %jit3A : i32 to vector<2048x8xi32>
    %select_n3A = arith.select %eq3A_3, %iota3A, %broadcast_in_dim3A_4 : vector<2048x8xi1>, vector<2048x8xi32>
    %reduce_min3A = arith.constant dense<2147483647> : vector<2048xi32>
    %reduce_min3A_5 = vector.multi_reduction <minsi>, %select_n3A, %reduce_min3A [1] : vector<2048x8xi32> to vector<2048xi32>
    %broadcast_in_dim3A_6 = vector.shape_cast %reduce_min3A_5 : vector<2048xi32> to vector<2048x1xi32>
    %eq3A_7 = vector.broadcast %broadcast_in_dim3A_6 : vector<2048x1xi32> to vector<2048x8xi32>
    %eq3A_8 = arith.cmpi eq, %iota3A, %eq3A_7 : vector<2048x8xi32>
    %jit3A_9 = arith.constant 0xFF800000 : f32
    %broadcast_in_dim3A_10 = vector.broadcast %jit3A_9 : f32 to vector<2048x8xf32>
    %select_n3A_11 = arith.select %eq3A_8, %broadcast_in_dim3A_10, %get3A_1 : vector<2048x8xi1>, vector<2048x8xf32>
    %reduce_max3A_12 = arith.constant dense<0xFF800000> : vector<2048xf32>
    %reduce_max3A_13 = vector.multi_reduction <maximumf>, %select_n3A_11, %reduce_max3A_12 [1] : vector<2048x8xf32> to vector<2048xf32>
    %broadcast_in_dim3A_14 = vector.shape_cast %reduce_max3A_13 : vector<2048xf32> to vector<2048x1xf32>
    %eq3A_15 = vector.broadcast %broadcast_in_dim3A_14 : vector<2048x1xf32> to vector<2048x8xf32>
    %eq3A_16 = arith.cmpf oeq, %select_n3A_11, %eq3A_15 : vector<2048x8xf32>
    %jit3A_17 = arith.constant 8 : i32
    %broadcast_in_dim3A_18 = vector.broadcast %jit3A_17 : i32 to vector<2048x8xi32>
    %select_n3A_19 = arith.select %eq3A_16, %iota3A, %broadcast_in_dim3A_18 : vector<2048x8xi1>, vector<2048x8xi32>
    %reduce_min3A_20 = arith.constant dense<2147483647> : vector<2048xi32>
    %reduce_min3A_21 = vector.multi_reduction <minsi>, %select_n3A_19, %reduce_min3A_20 [1] : vector<2048x8xi32> to vector<2048xi32>
    %broadcast_in_dim3A_22 = vector.shape_cast %reduce_min3A_21 : vector<2048xi32> to vector<2048x1xi32>
    %eq3A_23 = vector.broadcast %broadcast_in_dim3A_22 : vector<2048x1xi32> to vector<2048x8xi32>
    %eq3A_24 = arith.cmpi eq, %iota3A, %eq3A_23 : vector<2048x8xi32>
    %add3A = arith.addf %broadcast_in_dim3A, %broadcast_in_dim3A_14 : vector<2048x1xf32>
    %max3A = arith.constant 9.99999993E-9 : f32
    %max3A_25 = vector.broadcast %max3A : f32 to vector<2048x1xf32>
    %max3A_26 = arith.maximumf %add3A, %max3A_25 : vector<2048x1xf32>
    %div3A = arith.divf %broadcast_in_dim3A, %max3A_26 : vector<2048x1xf32>
    %swap3A = arith.constant 0 : index
    %swap3A_27 = arith.constant 0 : index
    %swap3A_28 = vector.load %arg4[%swap3A, %swap3A_27] : memref<2048x1xf32, #tpu.memory_space<vmem>>, vector<2048x1xf32>
    tpu.vector_store %arg4[%swap3A, %swap3A_27], %div3A {strides = array<i32>} : memref<2048x1xf32, #tpu.memory_space<vmem>>, vector<2048x1xf32>,
    %div3A_29 = arith.divf %broadcast_in_dim3A_14, %max3A_26 : vector<2048x1xf32>
    %swap3A_30 = arith.constant 0 : index
    %swap3A_31 = arith.constant 0 : index
    %swap3A_32 = vector.load %arg5[%swap3A_30, %swap3A_31] : memref<2048x1xf32, #tpu.memory_space<vmem>>, vector<2048x1xf32>
    tpu.vector_store %arg5[%swap3A_30, %swap3A_31], %div3A_29 {strides = array<i32>} : memref<2048x1xf32, #tpu.memory_space<vmem>>, vector<2048x1xf32>,
    %add3A_33 = arith.addf %broadcast_in_dim3A, %broadcast_in_dim3A_14 : vector<2048x1xf32>
    %div3A_34 = arith.divf %add3A_33, %max3A_26 : vector<2048x1xf32>
    %swap3A_35 = arith.constant 0 : index
    %swap3A_36 = arith.constant 0 : index
    %swap3A_37 = vector.load %arg6[%swap3A_35, %swap3A_36] : memref<2048x1xf32, #tpu.memory_space<vmem>>, vector<2048x1xf32>
    tpu.vector_store %arg6[%swap3A_35, %swap3A_36], %div3A_34 {strides = array<i32>} : memref<2048x1xf32, #tpu.memory_space<vmem>>, vector<2048x1xf32>,
    %or3A = arith.ori %eq3A_8, %eq3A_24 : vector<2048x8xi1>
    %jit3A_38 = arith.constant 1.000000e+00 : f32
    %jit3A_39 = arith.constant 0.000000e+00 : f32
    %broadcast_in_dim3A_40 = vector.broadcast %jit3A_38 : f32 to vector<2048x8xf32>
    %broadcast_in_dim3A_41 = vector.broadcast %jit3A_39 : f32 to vector<2048x8xf32>
    %select_n3A_42 = arith.select %or3A, %broadcast_in_dim3A_40, %broadcast_in_dim3A_41 : vector<2048x8xi1>, vector<2048x8xf32>
    %iota3A_43 = tpu.iota {dimensions = array<i32: 0>} : vector<256x256xi32>
    %iota3A_44 = tpu.iota {dimensions = array<i32: 1>} : vector<256x256xi32>
    %gt3A = arith.cmpi sgt, %iota3A_43, %iota3A_44 : vector<256x256xi32>
    %jit3A_45 = arith.constant 1.000000e+00 : f32
    %jit3A_46 = arith.constant 0.000000e+00 : f32
    %broadcast_in_dim3A_47 = vector.broadcast %jit3A_45 : f32 to vector<256x256xf32>
    %broadcast_in_dim3A_48 = vector.broadcast %jit3A_46 : f32 to vector<256x256xf32>
    %select_n3A_49 = arith.select %gt3A, %broadcast_in_dim3A_47, %broadcast_in_dim3A_48 : vector<256x256xi1>, vector<256x256xf32>
    %convert_element_type3A = arith.truncf %select_n3A_49 : vector<256x256xf32> to vector<256x256xbf16>
    %broadcast_in_dim3A_50 = arith.constant 0.000000e+00 : f32
    %broadcast_in_dim3A_51 = vector.broadcast %broadcast_in_dim3A_50 : f32 to vector<1x8xf32>
    %slice3A = vector.extract_strided_slice %select_n3A_42 {offsets = [0, 0], sizes = [256, 8], strides = [1, 1]} : vector<2048x8xf32> to vector<256x8xf32>
    %convert_element_type3A_52 = arith.truncf %slice3A : vector<256x8xf32> to vector<256x8xbf16>
    %dot_general3A = arith.constant dense<0.000000e+00> : vector<256x8xf32>
    %dot_general3A_53 = tpu.matmul %convert_element_type3A, %convert_element_type3A_52, %dot_general3A {dimension_numbers = #tpu.dot_dimension_numbers<[1], [0], [0], [1], [0, 0, 1, 1], [], []>, transpose_lhs_hint = false} : vector<256x256xbf16>, vector<256x8xbf16>, vector<256x8xf32> -> vector<256x8xf32>
    %add3A_54 = vector.broadcast %broadcast_in_dim3A_51 : vector<1x8xf32> to vector<256x8xf32>
    %add3A_55 = arith.addf %dot_general3A_53, %add3A_54 : vector<256x8xf32>
    %reduce_sum3A = arith.constant dense<0.000000e+00> : vector<8xf32>
    %reduce_sum3A_56 = vector.multi_reduction <add>, %slice3A, %reduce_sum3A [0] : vector<256x8xf32> to vector<8xf32>
    %broadcast_in_dim3A_57 = vector.shape_cast %reduce_sum3A_56 : vector<8xf32> to vector<1x8xf32>
    %add3A_58 = arith.addf %broadcast_in_dim3A_51, %broadcast_in_dim3A_57 : vector<1x8xf32>
    %slice3A_59 = vector.extract_strided_slice %select_n3A_42 {offsets = [256, 0], sizes = [256, 8], strides = [1, 1]} : vector<2048x8xf32> to vector<256x8xf32>
    %convert_element_type3A_60 = arith.truncf %slice3A_59 : vector<256x8xf32> to vector<256x8xbf16>
    %dot_general3A_61 = arith.constant dense<0.000000e+00> : vector<256x8xf32>
    %dot_general3A_62 = tpu.matmul %convert_element_type3A, %convert_element_type3A_60, %dot_general3A_61 {dimension_numbers = #tpu.dot_dimension_numbers<[1], [0], [0], [1], [0, 0, 1, 1], [], []>, transpose_lhs_hint = false} : vector<256x256xbf16>, vector<256x8xbf16>, vector<256x8xf32> -> vector<256x8xf32>
    %add3A_63 = vector.broadcast %add3A_58 : vector<1x8xf32> to vector<256x8xf32>
    %add3A_64 = arith.addf %dot_general3A_62, %add3A_63 : vector<256x8xf32>
    %reduce_sum3A_65 = arith.constant dense<0.000000e+00> : vector<8xf32>
    %reduce_sum3A_66 = vector.multi_reduction <add>, %slice3A_59, %reduce_sum3A_65 [0] : vector<256x8xf32> to vector<8xf32>
    %broadcast_in_dim3A_67 = vector.shape_cast %reduce_sum3A_66 : vector<8xf32> to vector<1x8xf32>
    %add3A_68 = arith.addf %add3A_58, %broadcast_in_dim3A_67 : vector<1x8xf32>
    %slice3A_69 = vector.extract_strided_slice %select_n3A_42 {offsets = [512, 0], sizes = [256, 8], strides = [1, 1]} : vector<2048x8xf32> to vector<256x8xf32>
    %convert_element_type3A_70 = arith.truncf %slice3A_69 : vector<256x8xf32> to vector<256x8xbf16>
    %dot_general3A_71 = arith.constant dense<0.000000e+00> : vector<256x8xf32>
    %dot_general3A_72 = tpu.matmul %convert_element_type3A, %convert_element_type3A_70, %dot_general3A_71 {dimension_numbers = #tpu.dot_dimension_numbers<[1], [0], [0], [1], [0, 0, 1, 1], [], []>, transpose_lhs_hint = false} : vector<256x256xbf16>, vector<256x8xbf16>, vector<256x8xf32> -> vector<256x8xf32>
    %add3A_73 = vector.broadcast %add3A_68 : vector<1x8xf32> to vector<256x8xf32>
    %add3A_74 = arith.addf %dot_general3A_72, %add3A_73 : vector<256x8xf32>
    %reduce_sum3A_75 = arith.constant dense<0.000000e+00> : vector<8xf32>
    %reduce_sum3A_76 = vector.multi_reduction <add>, %slice3A_69, %reduce_sum3A_75 [0] : vector<256x8xf32> to vector<8xf32>
    %broadcast_in_dim3A_77 = vector.shape_cast %reduce_sum3A_76 : vector<8xf32> to vector<1x8xf32>
    %add3A_78 = arith.addf %add3A_68, %broadcast_in_dim3A_77 : vector<1x8xf32>
    %slice3A_79 = vector.extract_strided_slice %select_n3A_42 {offsets = [768, 0], sizes = [256, 8], strides = [1, 1]} : vector<2048x8xf32> to vector<256x8xf32>
    %convert_element_type3A_80 = arith.truncf %slice3A_79 : vector<256x8xf32> to vector<256x8xbf16>
    %dot_general3A_81 = arith.constant dense<0.000000e+00> : vector<256x8xf32>
    %dot_general3A_82 = tpu.matmul %convert_element_type3A, %convert_element_type3A_80, %dot_general3A_81 {dimension_numbers = #tpu.dot_dimension_numbers<[1], [0], [0], [1], [0, 0, 1, 1], [], []>, transpose_lhs_hint = false} : vector<256x256xbf16>, vector<256x8xbf16>, vector<256x8xf32> -> vector<256x8xf32>
    %add3A_83 = vector.broadcast %add3A_78 : vector<1x8xf32> to vector<256x8xf32>
    %add3A_84 = arith.addf %dot_general3A_82, %add3A_83 : vector<256x8xf32>
    %reduce_sum3A_85 = arith.constant dense<0.000000e+00> : vector<8xf32>
    %reduce_sum3A_86 = vector.multi_reduction <add>, %slice3A_79, %reduce_sum3A_85 [0] : vector<256x8xf32> to vector<8xf32>
    %broadcast_in_dim3A_87 = vector.shape_cast %reduce_sum3A_86 : vector<8xf32> to vector<1x8xf32>
    %add3A_88 = arith.addf %add3A_78, %broadcast_in_dim3A_87 : vector<1x8xf32>
    %slice3A_89 = vector.extract_strided_slice %select_n3A_42 {offsets = [1024, 0], sizes = [256, 8], strides = [1, 1]} : vector<2048x8xf32> to vector<256x8xf32>
    %convert_element_type3A_90 = arith.truncf %slice3A_89 : vector<256x8xf32> to vector<256x8xbf16>
    %dot_general3A_91 = arith.constant dense<0.000000e+00> : vector<256x8xf32>
    %dot_general3A_92 = tpu.matmul %convert_element_type3A, %convert_element_type3A_90, %dot_general3A_91 {dimension_numbers = #tpu.dot_dimension_numbers<[1], [0], [0], [1], [0, 0, 1, 1], [], []>, transpose_lhs_hint = false} : vector<256x256xbf16>, vector<256x8xbf16>, vector<256x8xf32> -> vector<256x8xf32>
    %add3A_93 = vector.broadcast %add3A_88 : vector<1x8xf32> to vector<256x8xf32>
    %add3A_94 = arith.addf %dot_general3A_92, %add3A_93 : vector<256x8xf32>
    %reduce_sum3A_95 = arith.constant dense<0.000000e+00> : vector<8xf32>
    %reduce_sum3A_96 = vector.multi_reduction <add>, %slice3A_89, %reduce_sum3A_95 [0] : vector<256x8xf32> to vector<8xf32>
    %broadcast_in_dim3A_97 = vector.shape_cast %reduce_sum3A_96 : vector<8xf32> to vector<1x8xf32>
    %add3A_98 = arith.addf %add3A_88, %broadcast_in_dim3A_97 : vector<1x8xf32>
    %slice3A_99 = vector.extract_strided_slice %select_n3A_42 {offsets = [1280, 0], sizes = [256, 8], strides = [1, 1]} : vector<2048x8xf32> to vector<256x8xf32>
    %convert_element_type3A_100 = arith.truncf %slice3A_99 : vector<256x8xf32> to vector<256x8xbf16>
    %dot_general3A_101 = arith.constant dense<0.000000e+00> : vector<256x8xf32>
    %dot_general3A_102 = tpu.matmul %convert_element_type3A, %convert_element_type3A_100, %dot_general3A_101 {dimension_numbers = #tpu.dot_dimension_numbers<[1], [0], [0], [1], [0, 0, 1, 1], [], []>, transpose_lhs_hint = false} : vector<256x256xbf16>, vector<256x8xbf16>, vector<256x8xf32> -> vector<256x8xf32>
    %add3A_103 = vector.broadcast %add3A_98 : vector<1x8xf32> to vector<256x8xf32>
    %add3A_104 = arith.addf %dot_general3A_102, %add3A_103 : vector<256x8xf32>
    %reduce_sum3A_105 = arith.constant dense<0.000000e+00> : vector<8xf32>
    %reduce_sum3A_106 = vector.multi_reduction <add>, %slice3A_99, %reduce_sum3A_105 [0] : vector<256x8xf32> to vector<8xf32>
    %broadcast_in_dim3A_107 = vector.shape_cast %reduce_sum3A_106 : vector<8xf32> to vector<1x8xf32>
    %add3A_108 = arith.addf %add3A_98, %broadcast_in_dim3A_107 : vector<1x8xf32>
    %slice3A_109 = vector.extract_strided_slice %select_n3A_42 {offsets = [1536, 0], sizes = [256, 8], strides = [1, 1]} : vector<2048x8xf32> to vector<256x8xf32>
    %convert_element_type3A_110 = arith.truncf %slice3A_109 : vector<256x8xf32> to vector<256x8xbf16>
    %dot_general3A_111 = arith.constant dense<0.000000e+00> : vector<256x8xf32>
    %dot_general3A_112 = tpu.matmul %convert_element_type3A, %convert_element_type3A_110, %dot_general3A_111 {dimension_numbers = #tpu.dot_dimension_numbers<[1], [0], [0], [1], [0, 0, 1, 1], [], []>, transpose_lhs_hint = false} : vector<256x256xbf16>, vector<256x8xbf16>, vector<256x8xf32> -> vector<256x8xf32>
    %add3A_113 = vector.broadcast %add3A_108 : vector<1x8xf32> to vector<256x8xf32>
    %add3A_114 = arith.addf %dot_general3A_112, %add3A_113 : vector<256x8xf32>
    %reduce_sum3A_115 = arith.constant dense<0.000000e+00> : vector<8xf32>
    %reduce_sum3A_116 = vector.multi_reduction <add>, %slice3A_109, %reduce_sum3A_115 [0] : vector<256x8xf32> to vector<8xf32>
    %broadcast_in_dim3A_117 = vector.shape_cast %reduce_sum3A_116 : vector<8xf32> to vector<1x8xf32>
    %add3A_118 = arith.addf %add3A_108, %broadcast_in_dim3A_117 : vector<1x8xf32>
    %slice3A_119 = vector.extract_strided_slice %select_n3A_42 {offsets = [1792, 0], sizes = [256, 8], strides = [1, 1]} : vector<2048x8xf32> to vector<256x8xf32>
    %convert_element_type3A_120 = arith.truncf %slice3A_119 : vector<256x8xf32> to vector<256x8xbf16>
    %dot_general3A_121 = arith.constant dense<0.000000e+00> : vector<256x8xf32>
    %dot_general3A_122 = tpu.matmul %convert_element_type3A, %convert_element_type3A_120, %dot_general3A_121 {dimension_numbers = #tpu.dot_dimension_numbers<[1], [0], [0], [1], [0, 0, 1, 1], [], []>, transpose_lhs_hint = false} : vector<256x256xbf16>, vector<256x8xbf16>, vector<256x8xf32> -> vector<256x8xf32>
    %add3A_123 = vector.broadcast %add3A_118 : vector<1x8xf32> to vector<256x8xf32>
    %add3A_124 = arith.addf %dot_general3A_122, %add3A_123 : vector<256x8xf32>
    %reduce_sum3A_125 = arith.constant dense<0.000000e+00> : vector<8xf32>
    %reduce_sum3A_126 = vector.multi_reduction <add>, %slice3A_119, %reduce_sum3A_125 [0] : vector<256x8xf32> to vector<8xf32>
    %broadcast_in_dim3A_127 = vector.shape_cast %reduce_sum3A_126 : vector<8xf32> to vector<1x8xf32>
    %add3A_128 = arith.addf %add3A_118, %broadcast_in_dim3A_127 : vector<1x8xf32>
    %concatenate3A = tpu.concatenate %add3A_55, %add3A_64, %add3A_74, %add3A_84, %add3A_94, %add3A_104, %add3A_114, %add3A_124 in 0 : vector<256x8xf32>, vector<256x8xf32>, vector<256x8xf32>, vector<256x8xf32>, vector<256x8xf32>, vector<256x8xf32>, vector<256x8xf32>, vector<256x8xf32> -> vector<2048x8xf32>
    %add3A_129 = arith.constant 1.270000e+02 : f32
    %add3A_130 = vector.broadcast %add3A_129 : f32 to vector<1x8xf32>
    %add3A_131 = arith.addf %add3A_128, %add3A_130 : vector<1x8xf32>
    %div3A_132 = arith.constant 1.280000e+02 : f32
    %div3A_133 = vector.broadcast %div3A_132 : f32 to vector<1x8xf32>
    %div3A_134 = arith.divf %add3A_131, %div3A_133 : vector<1x8xf32>
    %floor3A = math.floor %div3A_134 : vector<1x8xf32>
    %iota3A_135 = tpu.iota {dimensions = array<i32: 0>} : vector<8x8xi32>
    %iota3A_136 = tpu.iota {dimensions = array<i32: 1>} : vector<8x8xi32>
    %lt3A = arith.cmpi slt, %iota3A_135, %iota3A_136 : vector<8x8xi32>
    %jit3A_137 = arith.constant 1.000000e+00 : f32
    %jit3A_138 = arith.constant 0.000000e+00 : f32
    %broadcast_in_dim3A_139 = vector.broadcast %jit3A_137 : f32 to vector<8x8xf32>
    %broadcast_in_dim3A_140 = vector.broadcast %jit3A_138 : f32 to vector<8x8xf32>
    %select_n3A_141 = arith.select %lt3A, %broadcast_in_dim3A_139, %broadcast_in_dim3A_140 : vector<8x8xi1>, vector<8x8xf32>
    %convert_element_type3A_142 = arith.truncf %select_n3A_141 : vector<8x8xf32> to vector<8x8xbf16>
    %convert_element_type3A_143 = arith.truncf %floor3A : vector<1x8xf32> to vector<1x8xbf16>
    %dot_general3A_144 = arith.constant dense<0.000000e+00> : vector<1x8xf32>
    %dot_general3A_145 = tpu.matmul %convert_element_type3A_143, %convert_element_type3A_142, %dot_general3A_144 {dimension_numbers = #tpu.dot_dimension_numbers<[1], [0], [0], [1], [0, 0, 1, 1], [], []>, transpose_lhs_hint = false} : vector<1x8xbf16>, vector<8x8xbf16>, vector<1x8xf32> -> vector<1x8xf32>
    %mul3A = arith.constant 1.280000e+02 : f32
    %mul3A_146 = vector.broadcast %mul3A : f32 to vector<1x8xf32>
    %mul3A_147 = arith.mulf %dot_general3A_145, %mul3A_146 : vector<1x8xf32>
    %add3A_148 = vector.broadcast %mul3A_147 : vector<1x8xf32> to vector<2048x8xf32>
    %add3A_149 = arith.addf %concatenate3A, %add3A_148 : vector<2048x8xf32>
    %jit3A_150 = arith.constant 0.000000e+00 : f32
    %broadcast_in_dim3A_151 = vector.broadcast %jit3A_150 : f32 to vector<2048x8xf32>
    %select_n3A_152 = arith.select %eq3A_8, %add3A_149, %broadcast_in_dim3A_151 : vector<2048x8xi1>, vector<2048x8xf32>
    %reduce_sum3A_153 = arith.constant dense<0.000000e+00> : vector<2048xf32>
    %reduce_sum3A_154 = vector.multi_reduction <add>, %select_n3A_152, %reduce_sum3A_153 [1] : vector<2048x8xf32> to vector<2048xf32>
    %broadcast_in_dim3A_155 = vector.shape_cast %reduce_sum3A_154 : vector<2048xf32> to vector<2048x1xf32>
    %convert_element_type3A_156 = arith.fptosi %broadcast_in_dim3A_155 : vector<2048x1xf32> to vector<2048x1xi32>
    %swap3A_157 = arith.constant 0 : index
    %swap3A_158 = arith.constant 0 : index
    %swap3A_159 = vector.load %arg2[%swap3A_157, %swap3A_158] : memref<2048x1xi32, #tpu.memory_space<vmem>>, vector<2048x1xi32>
    tpu.vector_store %arg2[%swap3A_157, %swap3A_158], %convert_element_type3A_156 {strides = array<i32>} : memref<2048x1xi32, #tpu.memory_space<vmem>>, vector<2048x1xi32>,
    %jit3A_160 = arith.constant 0.000000e+00 : f32
    %broadcast_in_dim3A_161 = vector.broadcast %jit3A_160 : f32 to vector<2048x8xf32>
    %select_n3A_162 = arith.select %eq3A_24, %add3A_149, %broadcast_in_dim3A_161 : vector<2048x8xi1>, vector<2048x8xf32>
    %reduce_sum3A_163 = arith.constant dense<0.000000e+00> : vector<2048xf32>
    %reduce_sum3A_164 = vector.multi_reduction <add>, %select_n3A_162, %reduce_sum3A_163 [1] : vector<2048x8xf32> to vector<2048xf32>
    %broadcast_in_dim3A_165 = vector.shape_cast %reduce_sum3A_164 : vector<2048xf32> to vector<2048x1xf32>
    %convert_element_type3A_166 = arith.fptosi %broadcast_in_dim3A_165 : vector<2048x1xf32> to vector<2048x1xi32>
    %swap3A_167 = arith.constant 0 : index
    %swap3A_168 = arith.constant 0 : index
    %swap3A_169 = vector.load %arg3[%swap3A_167, %swap3A_168] : memref<2048x1xi32, #tpu.memory_space<vmem>>, vector<2048x1xi32>
    tpu.vector_store %arg3[%swap3A_167, %swap3A_168], %convert_element_type3A_166 {strides = array<i32>} : memref<2048x1xi32, #tpu.memory_space<vmem>>, vector<2048x1xi32>,
    %iota3A_170 = tpu.iota {dimensions = array<i32: 1>} : vector<8x64xi32>
    %convert_element_type3A_171 = arith.sitofp %iota3A_170 : vector<8x64xi32> to vector<8x64xf32>
    %reshape3A = vector.shape_cast %dot_general3A_145 : vector<1x8xf32> to vector<8x1xf32>
    %le3A = vector.broadcast %reshape3A : vector<8x1xf32> to vector<8x64xf32>
    %le3A_172 = arith.cmpf ole, %le3A, %convert_element_type3A_171 : vector<8x64xf32>
    %jit3A_173 = arith.constant 1 : i32
    %jit3A_174 = arith.constant 0 : i32
    %broadcast_in_dim3A_175 = vector.broadcast %jit3A_173 : i32 to vector<8x64xi32>
    %broadcast_in_dim3A_176 = vector.broadcast %jit3A_174 : i32 to vector<8x64xi32>
    %select_n3A_177 = arith.select %le3A_172, %broadcast_in_dim3A_175, %broadcast_in_dim3A_176 : vector<8x64xi1>, vector<8x64xi32>
    %reduce_sum3A_178 = arith.constant dense<0> : vector<64xi32>
    %reduce_sum3A_179 = vector.multi_reduction <add>, %select_n3A_177, %reduce_sum3A_178 [0] : vector<8x64xi32> to vector<64xi32>
    %broadcast_in_dim3A_180 = vector.shape_cast %reduce_sum3A_179 : vector<64xi32> to vector<1x64xi32>
    %sub3A = arith.constant 1 : i32
    %sub3A_181 = vector.broadcast %sub3A : i32 to vector<1x64xi32>
    %sub3A_182 = arith.subi %broadcast_in_dim3A_180, %sub3A_181 : vector<1x64xi32>
    %jit3A_183 = arith.constant 0 : i32
    %jit3A_184 = arith.constant 7 : i32
    %max3A_185 = vector.broadcast %jit3A_183 : i32 to vector<1x64xi32>
    %max3A_186 = arith.maxsi %max3A_185, %sub3A_182 : vector<1x64xi32>
    %min3A = vector.broadcast %jit3A_184 : i32 to vector<1x64xi32>
    %min3A_187 = arith.minsi %min3A, %max3A_186 : vector<1x64xi32>
    %swap3A_188 = arith.constant 0 : index
    %swap3A_189 = arith.constant 0 : index
    %swap3A_190 = vector.load %arg7[%swap3A_188, %swap3A_189] : memref<1x64xi32, #tpu.memory_space<vmem>>, vector<1x64xi32>
    tpu.vector_store %arg7[%swap3A_188, %swap3A_189], %min3A_187 {strides = array<i32>} : memref<1x64xi32, #tpu.memory_space<vmem>>, vector<1x64xi32>,
    return
  }
  func.func @transform_0(%arg0: i32) -> (i32, i32) {
    %c0_i32 = arith.constant 0 : i32
    %c0_i32_0 = arith.constant 0 : i32
    %c0_i32_1 = arith.constant 0 : i32
    return %c0_i32, %c0_i32_0 : i32, i32
  }
  func.func @transform_1(%arg0: i32) -> (i32, i32) {
    %c0_i32 = arith.constant 0 : i32
    %c0_i32_0 = arith.constant 0 : i32
    %c0_i32_1 = arith.constant 0 : i32
    return %c0_i32, %c0_i32_0 : i32, i32
  }
  func.func @transform_2(%arg0: i32) -> (i32, i32) {
    %c0_i32 = arith.constant 0 : i32
    %c0_i32_0 = arith.constant 0 : i32
    %c0_i32_1 = arith.constant 0 : i32
    return %c0_i32, %c0_i32_0 : i32, i32
  }
  func.func @transform_3(%arg0: i32) -> (i32, i32) {
    %c0_i32 = arith.constant 0 : i32
    %c0_i32_0 = arith.constant 0 : i32
    %c0_i32_1 = arith.constant 0 : i32
    return %c0_i32, %c0_i32_0 : i32, i32
  }
  func.func @transform_4(%arg0: i32) -> (i32, i32) {
    %c0_i32 = arith.constant 0 : i32
    %c0_i32_0 = arith.constant 0 : i32
    %c0_i32_1 = arith.constant 0 : i32
    return %c0_i32, %c0_i32_0 : i32, i32
  }
  func.func @transform_5(%arg0: i32) -> (i32, i32) {
    %c0_i32 = arith.constant 0 : i32
    %c0_i32_0 = arith.constant 0 : i32
    %c0_i32_1 = arith.constant 0 : i32
    return %c0_i32, %c0_i32_0 : i32, i32
  }
  func.func @transform_6(%arg0: i32) -> (i32, i32) {
    %c0_i32 = arith.constant 0 : i32
    %c0_i32_0 = arith.constant 0 : i32
    %c0_i32_1 = arith.constant 0 : i32
    return %c0_i32, %c0_i32_0 : i32, i32
  }
}

module attributes {stable_mosaic.version = 14 : i64} {
  func.func @_gmm_body(%arg0: i32, %arg1: memref<40xi32, #tpu.memory_space<smem>>, %arg2: memref<128x1024xf32, #tpu.memory_space<vmem>>, %arg3: memref<1x1024x1024xbf16, #tpu.memory_space<vmem>>, %arg4: memref<128x1024xf32, #tpu.memory_space<vmem>>) attributes {dimension_semantics = [#tpu.dimension_semantics<arbitrary>], iteration_bounds = array<i64: 40>, scalar_prefetch = 1 : i64, scratch_operands = 0 : i64, tpu.core_type = #tpu.core_type<tc>, window_params = [{transform_indices = @transform_0, window_bounds = array<i64: 128, 1024>}, {transform_indices = @transform_1, window_bounds = array<i64: 1, 1024, 1024>}, {transform_indices = @transform_2, window_bounds = array<i64: 128, 1024>}]} {
    %get3A = arith.constant 0 : index
    %get3A_0 = arith.constant 0 : index
    %get3A_1 = vector.load %arg2[%get3A, %get3A_0] : memref<128x1024xf32, #tpu.memory_space<vmem>>, vector<128x1024xf32>
    %convert_element_type3A = arith.truncf %get3A_1 : vector<128x1024xf32> to vector<128x1024xbf16>
    %get3A_2 = arith.constant 0 : index
    %get3A_3 = arith.constant 0 : index
    %get3A_4 = arith.constant 0 : index
    %get3A_5 = vector.load %arg3[%get3A_2, %get3A_3, %get3A_4] : memref<1x1024x1024xbf16, #tpu.memory_space<vmem>>, vector<1x1024x1024xbf16>
    %get3A_6 = vector.shape_cast %get3A_5 : vector<1x1024x1024xbf16> to vector<1024x1024xbf16>
    %dot_general3A = arith.constant dense<0.000000e+00> : vector<128x1024xf32>
    %dot_general3A_7 = tpu.matmul %convert_element_type3A, %get3A_6, %dot_general3A {dimension_numbers = #tpu.dot_dimension_numbers<[1], [1], [0], [0], [0, 0, 1, 0], [], []>, transpose_lhs_hint = false} : vector<128x1024xbf16>, vector<1024x1024xbf16>, vector<128x1024xf32> -> vector<128x1024xf32>
    %swap3A = arith.constant 0 : index
    %swap3A_8 = arith.constant 0 : index
    %swap3A_9 = vector.load %arg4[%swap3A, %swap3A_8] : memref<128x1024xf32, #tpu.memory_space<vmem>>, vector<128x1024xf32>
    tpu.vector_store %arg4[%swap3A, %swap3A_8], %dot_general3A_7 {strides = array<i32>} : memref<128x1024xf32, #tpu.memory_space<vmem>>, vector<128x1024xf32>,
    return
  }
  func.func @transform_0(%arg0: i32, %arg1: memref<40xi32, #tpu.memory_space<smem>>) -> (i32, i32) {
    %c0_i32 = arith.constant 0 : i32
    %c0_i32_0 = arith.constant 0 : i32
    return %arg0, %c0_i32 : i32, i32
  }
  func.func @transform_1(%arg0: i32, %arg1: memref<40xi32, #tpu.memory_space<smem>>) -> (i32, i32, i32) {
    %get3A = arith.index_cast %arg0 : i32 to index
    %get3A_0 = memref.load %arg1[%get3A] : memref<40xi32, #tpu.memory_space<smem>>
    %c0_i32 = arith.constant 0 : i32
    %c0_i32_1 = arith.constant 0 : i32
    %c0_i32_2 = arith.constant 0 : i32
    return %get3A_0, %c0_i32, %c0_i32_1 : i32, i32, i32
  }
  func.func @transform_2(%arg0: i32, %arg1: memref<40xi32, #tpu.memory_space<smem>>) -> (i32, i32) {
    %c0_i32 = arith.constant 0 : i32
    %c0_i32_0 = arith.constant 0 : i32
    return %arg0, %c0_i32 : i32, i32
  }
}

module attributes {stable_mosaic.version = 14 : i64} {
  func.func @_combine_body(%arg0: i32, %arg1: memref<1024x1024xf32, #tpu.memory_space<vmem>>, %arg2: memref<1024x1024xf32, #tpu.memory_space<vmem>>, %arg3: memref<1024x1024xf32, #tpu.memory_space<vmem>>, %arg4: memref<1024x1xf32, #tpu.memory_space<vmem>>, %arg5: memref<1024x1xf32, #tpu.memory_space<vmem>>, %arg6: memref<1024x1xf32, #tpu.memory_space<vmem>>, %arg7: memref<1024x1024xf32, #tpu.memory_space<vmem>>) attributes {dimension_semantics = [#tpu.dimension_semantics<arbitrary>], iteration_bounds = array<i64: 2>, scalar_prefetch = 0 : i64, scratch_operands = 0 : i64, tpu.core_type = #tpu.core_type<tc>, window_params = [{transform_indices = @transform_0, window_bounds = array<i64: 1024, 1024>}, {transform_indices = @transform_1, window_bounds = array<i64: 1024, 1024>}, {transform_indices = @transform_2, window_bounds = array<i64: 1024, 1024>}, {transform_indices = @transform_3, window_bounds = array<i64: 1024, 1>}, {transform_indices = @transform_4, window_bounds = array<i64: 1024, 1>}, {transform_indices = @transform_5, window_bounds = array<i64: 1024, 1>}, {transform_indices = @transform_6, window_bounds = array<i64: 1024, 1024>}]} {
    %get3A = arith.constant 0 : index
    %get3A_0 = arith.constant 0 : index
    %get3A_1 = vector.load %arg4[%get3A, %get3A_0] : memref<1024x1xf32, #tpu.memory_space<vmem>>, vector<1024x1xf32>
    %get3A_2 = arith.constant 0 : index
    %get3A_3 = arith.constant 0 : index
    %get3A_4 = vector.load %arg2[%get3A_2, %get3A_3] : memref<1024x1024xf32, #tpu.memory_space<vmem>>, vector<1024x1024xf32>
    %mul3A = vector.broadcast %get3A_1 : vector<1024x1xf32> to vector<1024x1024xf32>
    %mul3A_5 = arith.mulf %mul3A, %get3A_4 : vector<1024x1024xf32>
    %get3A_6 = arith.constant 0 : index
    %get3A_7 = arith.constant 0 : index
    %get3A_8 = vector.load %arg5[%get3A_6, %get3A_7] : memref<1024x1xf32, #tpu.memory_space<vmem>>, vector<1024x1xf32>
    %get3A_9 = arith.constant 0 : index
    %get3A_10 = arith.constant 0 : index
    %get3A_11 = vector.load %arg3[%get3A_9, %get3A_10] : memref<1024x1024xf32, #tpu.memory_space<vmem>>, vector<1024x1024xf32>
    %mul3A_12 = vector.broadcast %get3A_8 : vector<1024x1xf32> to vector<1024x1024xf32>
    %mul3A_13 = arith.mulf %mul3A_12, %get3A_11 : vector<1024x1024xf32>
    %add3A = arith.addf %mul3A_5, %mul3A_13 : vector<1024x1024xf32>
    %get3A_14 = arith.constant 0 : index
    %get3A_15 = arith.constant 0 : index
    %get3A_16 = vector.load %arg6[%get3A_14, %get3A_15] : memref<1024x1xf32, #tpu.memory_space<vmem>>, vector<1024x1xf32>
    %get3A_17 = arith.constant 0 : index
    %get3A_18 = arith.constant 0 : index
    %get3A_19 = vector.load %arg1[%get3A_17, %get3A_18] : memref<1024x1024xf32, #tpu.memory_space<vmem>>, vector<1024x1024xf32>
    %mul3A_20 = vector.broadcast %get3A_16 : vector<1024x1xf32> to vector<1024x1024xf32>
    %mul3A_21 = arith.mulf %mul3A_20, %get3A_19 : vector<1024x1024xf32>
    %sub3A = arith.subf %add3A, %mul3A_21 : vector<1024x1024xf32>
    %swap3A = arith.constant 0 : index
    %swap3A_22 = arith.constant 0 : index
    %swap3A_23 = vector.load %arg7[%swap3A, %swap3A_22] : memref<1024x1024xf32, #tpu.memory_space<vmem>>, vector<1024x1024xf32>
    tpu.vector_store %arg7[%swap3A, %swap3A_22], %sub3A {strides = array<i32>} : memref<1024x1024xf32, #tpu.memory_space<vmem>>, vector<1024x1024xf32>,
    return
  }
  func.func @transform_0(%arg0: i32) -> (i32, i32) {
    %c0_i32 = arith.constant 0 : i32
    %c0_i32_0 = arith.constant 0 : i32
    return %arg0, %c0_i32 : i32, i32
  }
  func.func @transform_1(%arg0: i32) -> (i32, i32) {
    %c0_i32 = arith.constant 0 : i32
    %c0_i32_0 = arith.constant 0 : i32
    return %arg0, %c0_i32 : i32, i32
  }
  func.func @transform_2(%arg0: i32) -> (i32, i32) {
    %c0_i32 = arith.constant 0 : i32
    %c0_i32_0 = arith.constant 0 : i32
    return %arg0, %c0_i32 : i32, i32
  }
  func.func @transform_3(%arg0: i32) -> (i32, i32) {
    %c0_i32 = arith.constant 0 : i32
    %c0_i32_0 = arith.constant 0 : i32
    return %arg0, %c0_i32 : i32, i32
  }
  func.func @transform_4(%arg0: i32) -> (i32, i32) {
    %c0_i32 = arith.constant 0 : i32
    %c0_i32_0 = arith.constant 0 : i32
    return %arg0, %c0_i32 : i32, i32
  }
  func.func @transform_5(%arg0: i32) -> (i32, i32) {
    %c0_i32 = arith.constant 0 : i32
    %c0_i32_0 = arith.constant 0 : i32
    return %arg0, %c0_i32 : i32, i32
  }
  func.func @transform_6(%arg0: i32) -> (i32, i32) {
    %c0_i32 = arith.constant 0 : i32
    %c0_i32_0 = arith.constant 0 : i32
    return %arg0, %c0_i32 : i32, i32
  }
}

</mosaic_0001>

<sc_bundles>
// kernel: kernel.12.cloned.1.call-start
scs
__scs_entry_jumppad:
0x0: {  	(pc) =	sbr.rel $0x88, $3  }
0x1: {  	(tag) =	ssettag $0x0;
	lr =	simm.s32 $0x1  }
0x2: {  	[smem:$0x3F9E] =	sst lr;
	_ =	strace $0xD0000000  }
0x3: {  	_ = 	snop  }
0x4: {  	_ = 	snop  }
0x5: {  	_ = 	snop  }
0x6: {  	_ = 	snop  }
0x7: {  	_ = 	snop  }
__scs_overlays_trampoline_lowered:
0x8: {  	[smem:$0x3FAD] =	sst s0  }
0x9: {  	[smem:$0x3FAE] =	sst s1  }
0xa: {  	[smem:$0x3FAF] =	sst s2  }
0xb: {  	[smem:$0x3FB0] =	sst s3  }
0xc: {  	[smem:$0x3FB1] =	sst s4  }
0xd: {  	[smem:$0x3FB2] =	sst s5  }
0xe: {  	[smem:$0x3FB3] =	sst s6  }
0xf: {  	[smem:$0x3FB4] =	sst s7  }
0x10: {  	[smem:$0x3FB5] =	sst s8  }
0x11: {  	[smem:$0x3FB6] =	sst s9;
	s0 =	simm.s32 @!p0 $0x0  }
0x12: {  	s1 =	sld [smem:$0x3F9C];
	s0 =	simm.s32 @p0 $0x1  }
0x13: {  	[smem:$0x3FB7] =	sst s0;
	s0 =	simm.s32 @!p1 $0x0  }
0x14: {  	s2 =	sld [smem:$0x3F9B];
	s0 =	simm.s32 @p1 $0x1  }
0x15: {  	[smem:$0x3FB8] =	sst s0;
	s0 =	simm.s32 @!p2 $0x0  }
0x16: {  	s3 =	sld [smem:$0x3FDB];
	s0 =	simm.s32 @p2 $0x1  }
0x17: {  	s4 =	simm.s32 $0x1BF5;
	[smem:$0x3FBA] =	sst s0  }
0x18: {  	s0 =	sld [smem:$0x3F9D];
	_ =	swait.ge [sflag:s4], $0x0  }
0x19: {  	s7 =	sld [smem:$0x3F9E]  }
0x1a: {  	s8 =	sadd.s32 $0xFFFFE003, lr  }
0x1b: {  	s9 =	sadd.s32 $0xFFFFFEF7, lr;
	s5 =	simm.s32 $0xFFFFFFFF;
	p2 =	slt.u32 s8, $0xFFFFF086  }
0x1c: {  	p1 =	slt.u32 s9, $0xF7A;
	s5 =	simm.s32 @!p2 $0x0  }
0x1d: {  	s5 =	simm.s32 @p1 $0x1;
	p0 =	seq.s32 s7, s2  }
0x1e: {  	s7 =	smul.u32 @!p0 $0xF7A, s2;
	p2 =	seq.s32 @!p0 s5, $0x0  }
0x1f: {  	s9 =	smul.u32 $0xF7A, s1;
	s8 =	simm.s32 @!p0 $0x1BF5;
	p2 =	por !p2, p0  }
0x20: {  	[sflag:s8] =	ssyncset.s32 @!p0 $0xFFFFF086;
	s6 =	sadd.s32 @!p0 s3, s7;
	s7 =	simm.s32 @!p0 $0x108  }
0x21: {  	s3 =	sadd.s32 s3, s9;
	s6 =	sadd.s32 @!p0 $0x88, s6;
	s7 =	simm.s32 @p2 $0x1082  }
0x22: {  	[simem:s7], [sflag:s8] =	dma.local @!p0 [hbm:s6], $0xF7A  }
0x23: {  	s9 =	sor.u32 $0xD0000000, s2;
	s6 =	simm.s32 $0x108;
	_ =	swait.ge @!p0 [sflag:s8], $0x0  }
0x24: {  	s3 =	sadd.s32 $0x88, s3;
	s6 =	simm.s32 @!p1 $0x1082;
	[sflag:s4] =	ssyncset.s32 $0xFFFFF086  }
0x25: {  	[simem:s6], [sflag:s4] =	dma.local [hbm:s3], $0xF7A  }
0x26: {  	[smem:$0x3F9E] =	sst s1;
	(tag) =	ssettag s2;
	_ =	strace s9  }
0x27: {  	s1 =	sld [smem:$0x3FAE]  }
0x28: {  	s2 =	sld [smem:$0x3FAF]  }
0x29: {  	s4 =	sld [smem:$0x3FB1]  }
0x2a: {  	p0 =	seq.s32 s5, $0x0;
	s5 =	sld [smem:$0x3FB2]  }
0x2b: {  	s6 =	sld [smem:$0x3FB3]  }
0x2c: {  	s7 =	sld [smem:$0x3FB4]  }
0x2d: {  	s3 =	simm.s32 $0x108;
	s8 =	sld [smem:$0x3FB5]  }
0x2e: {  	s3 =	simm.s32 @!p0 $0x1082;
	s9 =	sld [smem:$0x3FB6]  }
0x2f: {  	lr =	sadd.s32 s0, s3;
	s0 =	sld [smem:$0x3FAD]  }
0x30: {  	s3 =	sld [smem:$0x3FB0]  }
0x31: {  	[smem:$0x3FB9] =	sst s10  }
0x32: {  	s10 =	sld [smem:$0x3FB7];
	_ =	sdelay $0x3  }
0x33: {  	p0 =	seq.s32 s10, $0x1;
	s10 =	sld [smem:$0x3FB9];
	_ =	sdelay $0x3  }
0x34: {  	[smem:$0x3FB9] =	sst s10  }
0x35: {  	s10 =	sld [smem:$0x3FB8];
	_ =	sdelay $0x3  }
0x36: {  	p1 =	seq.s32 s10, $0x1;
	s10 =	sld [smem:$0x3FB9];
	_ =	sdelay $0x3  }
0x37: {  	[smem:$0x3FB9] =	sst s10  }
0x38: {  	s10 =	sld [smem:$0x3FBA]  }
0x39: {  	_ = 	snop;
	(pc) =	sbr.ind lr, $3  }
0x3a: {  	_ = 	snop  }
0x3b: {  	_ = 	snop  }
0x3c: {  	p2 =	seq.s32 s10, $0x1;
	s10 =	sld [smem:$0x3FB9]  }
0x3d: {  	_ =	shalt  }
0x3e: {  	_ =	shalt  }
0x3f: {  	_ =	shalt  }
0x40: {  	_ =	shalt  }
0x41: {  	_ =	shalt  }
0x42: {  	_ =	shalt  }
0x43: {  	_ =	shalt  }
0x44: {  	_ =	shalt  }
0x45: {  	_ =	shalt  }
0x46: {  	_ =	shalt  }
0x47: {  	_ =	shalt  }
0x48: {  	_ =	shalt  }
0x49: {  	_ =	shalt  }
0x4a: {  	_ =	shalt  }
0x4b: {  	_ =	shalt  }
0x4c: {  	_ =	shalt  }
0x4d: {  	_ =	shalt  }
0x4e: {  	_ =	shalt  }
0x4f: {  	_ =	shalt  }
0x50: {  	_ =	shalt  }
0x51: {  	_ =	shalt  }
0x52: {  	_ =	shalt  }
0x53: {  	_ =	shalt  }
0x54: {  	_ =	shalt  }
0x55: {  	_ =	shalt  }
0x56: {  	_ =	shalt  }
0x57: {  	_ =	shalt  }
0x58: {  	_ =	shalt  }
0x59: {  	_ =	shalt  }
0x5a: {  	_ =	shalt  }
0x5b: {  	_ =	shalt  }
0x5c: {  	_ =	shalt  }
0x5d: {  	_ =	shalt  }
0x5e: {  	_ =	shalt  }
0x5f: {  	_ =	shalt  }
0x60: {  	_ =	shalt  }
0x61: {  	_ =	shalt  }
0x62: {  	_ =	shalt  }
0x63: {  	_ =	shalt  }
0x64: {  	_ =	shalt  }
0x65: {  	_ =	shalt  }
0x66: {  	_ =	shalt  }
0x67: {  	_ =	shalt  }
0x68: {  	_ =	shalt  }
0x69: {  	_ =	shalt  }
0x6a: {  	_ =	shalt  }
0x6b: {  	_ =	shalt  }
0x6c: {  	_ =	shalt  }
0x6d: {  	_ =	shalt  }
0x6e: {  	_ =	shalt  }
0x6f: {  	_ =	shalt  }
0x70: {  	_ =	shalt  }
0x71: {  	_ =	shalt  }
0x72: {  	_ =	shalt  }
0x73: {  	_ =	shalt  }
0x74: {  	_ =	shalt  }
0x75: {  	_ =	shalt  }
0x76: {  	_ =	shalt  }
0x77: {  	_ =	shalt  }
0x78: {  	_ =	shalt  }
0x79: {  	_ =	shalt  }
0x7a: {  	_ =	shalt  }
0x7b: {  	_ =	shalt  }
0x7c: {  	_ =	shalt  }
0x7d: {  	_ =	shalt  }
0x7e: {  	_ =	shalt  }
0x7f: {  	_ =	shalt  }
0x80: {  	_ =	shalt  }
0x81: {  	_ =	shalt  }
0x82: {  	_ =	shalt  }
0x83: {  	_ =	shalt  }
0x84: {  	_ =	shalt  }
0x85: {  	_ =	shalt  }
0x86: {  	_ =	shalt  }
0x87: {  	_ =	shalt  }
.Lfunc_end0:
.L_simem_size_0:
called_computation_lowered:
.L_overlay_start_0:
0x88: {  	s2 =	sld [smem:$0x3FD9]  }
0x89: {  	s3 =	sld [smem:$0x3FFE];
	_ =	sdelay $0x1  }
0x8a: {  	s1 =	srdreg.scid  }
0x8b: {  	s0 =	sand.u32 $0x1, s1  }
0x8c: {  	s16 =	sshll.u32 s0, $0xA;
	s2 =	sadd.s32 s3, s2  }
0x8d: {  	s2 =	sadd.s32 s2, s16  }
0x8e: {  	[smem:$0x3FC5] =	sst s2  }
0x8f: {  	_ = 	snop  }
0x90: {  	(tm) =	ssettm $0x1  }
0x91: {  	s17 =	sld [smem:$0x3FFB];
	_ =	sdelay $0x3  }
0x92: {  	_ =	strace s17  }
0x93: {  	s2 =	sld [smem:$0x3FFC];
	_ =	sdelay $0x3  }
0x94: {  	_ =	strace s2  }
0x95: {  	s2 =	sld [smem:$0x3FFD];
	_ =	sdelay $0x3  }
0x96: {  	_ =	strace s2  }
0x97: {  	_ =	strace $0x8FFFFFFF  }
0x98: {  	s18 =	sld [smem:$0x3FDB];
	_ =	sdelay $0x1  }
0x99: {  	s19 =	simm.s32 $_scs_section_size  }
0x9a: {  	s4 =	simm.s32 $_size__tile_overlayer_lowered;
	s5 =	simm.s32 $_tile_overlayer_lowered  }
0x9b: {  	s22 =	simm.s32 $0x1BFF;
	s21 =	sshll.u32 s5, $0x1;
	s2 =	sadd.s32 s19, s18  }
0x9c: {  	s6 =	simm.s32 $0x0;
	s20 =	sshll.u32 s4, $0x1;
	s4 =	sadd.s32 s21, s2  }
0x9d: {  	[timem:s6], [sflag:s22] =	dma.local [hbm:s4], s20  }
0x9e: {  	_ =	swait.ge [sflag:s22], s20  }
0x9f: {  	s3 =	ssub.s32 $0x0, s20;
	[sflag:s22] =	ssyncset.done $0x0  }
0xa0: {  	[sflag:s22] =	ssyncadd.s32 s3;
	_ =	sdelay $0x1  }
0xa1: {  	s23 =	simm.s32 $0x1B8B  }
0xa2: {  	_ =	swait.ge [sflag:s23], $0x1  }
0xa3: {  	[sflag:s23] =	ssyncset.done $0x0  }
0xa4: {  	s25 =	simm.s32 $0x1B8E;
	s24 =	sld [smem:$0x3FFE];
	[sflag:s23] =	ssyncadd.s32 $0xFFFFFFFF  }
0xa5: {  	s26 =	simm.s32 $execute0_lowered;
	[smem:$0x3FD2] =	sst s25  }
0xa6: {  	s4 =	sshll.u32 s26, $0x1;
	_ =	strace $0x80000046;
	[dreg:$0x1] =	wrdreg $0xFFFFFFFF  }
0xa7: {  	s28 =	simm.s32 $_size_execute0_lowered;
	s2 =	sadd.s32 s2, s4;
	[dreg:$0x0] =	wrdreg $0x0  }
0xa8: {  	s4 =	sshll.u32 s28, $0x1;
	[dreg:$0x2] =	wrdreg s2  }
0xa9: {  	[dreg:$0x3] =	wrdreg s4  }
0xaa: {  	[dreg:$0x4] =	wrdreg $0xC0  }
0xab: {  	_ =	task [dreg:s6], $0x5FFFF  }
0xac: {  	[dreg:$0x1] =	wrdreg $0xFFFFFFFF  }
0xad: {  	[dreg:$0x0] =	wrdreg $0x60  }
0xae: {  	[dreg:$0x2] =	wrdreg s24  }
0xaf: {  	[dreg:$0x3] =	wrdreg $0x9  }
0xb0: {  	_ =	task.clear_ibuf [dreg:s6], $0x4FFFF;
	_ =	strace $0x90000046  }
0xb1: {  	s29 =	simm.s32 $0x9;
	_ =	strace $0x80000048  }
0xb2: {  	_ =	swait.ge [sflag:s29], $0x1  }
0xb3: {  	[sflag:s29] =	ssyncadd.s32 $0xFFFFFFFF  }
0xb4: {  	_ =	strace $0x90000048  }
0xb5: {  	_ =	sfence  }
0xb6: {  	s30 =	sld [smem:$0x0];
	_ =	sdelay $0x2  }
0xb7: {  	s31 =	sshll.u32 s1, $0xD;
	s1 =	sshrl.u32 s1, $0x2  }
0xb8: {  	s3 =	sand.u32 $0x4000, s31;
	s1 =	sadd.s32 s1, s30  }
0xb9: {  	s0 =	sor.u32 s3, s0;
	s1 =	sshll.u32 s1, $0x11  }
0xba: {  	s0 =	sor.u32 s1, s0  }
0xbb: {  	s0 =	sadd.s32 $0x8F2B, s0  }
0xbc: {  	[sflag:s0] =	ssyncadd.remote.s32 $0x1  }
0xbd: {  	_ =	sfence.sel $0xFFFF  }
0xbe: {  	[dreg:$0x0] =	wrdreg $0xFFFFFFFF;
	(pc) =	sbr.abs _section_cstart, $3  }
0xbf: {  	[dreg:$0x1] =	wrdreg $0xFFFFFFFF  }
0xc0: {  	_ =	task.clear_ibuf [dreg:s6], $0x2FFFF;
	_ =	strace $0x9FFFFFFF  }
0xc1: {  	(tm) =	ssettm $0x7FFFFFFF  }
tec
execute0_lowered:
.L_overlay_start_1:
0x0: {  	(tag) =	ssettag $0x1  }
0x1: {  	s0 =	srdreg.scid;
	s2 =	stileid.u32  }
0x2: {  	s1 =	rddreg [dreg:$0x0];
	s9 =	simm.s32 $0x2;
	s18 =	simm.s32 $0x1  }
0x3: {  	s20 =	simm.s32 $0x880;
	s21 =	simm.s32 $0x1080;
	s22 =	simm.s32 $0x1880  }
0x4: {  	s23 =	simm.s32 $0x2080;
	s24 =	simm.s32 $0x2880;
	s28 =	simm.s32 $0x4080  }
0x5: {  	s29 =	simm.s32 $0x4880;
	s30 =	simm.s32 $0x5080;
	s31 =	simm.s32 $0x5880  }
0x6: {  	s10 =	simm.s32 $0x7080;
	s11 =	simm.s32 $0x7880;
	s12 =	simm.s32 $0x8080  }
0x7: {  	s13 =	simm.s32 $0x8880;
	s14 =	simm.s32 $0x9080;
	s15 =	simm.s32 $0x9880  }
0x8: {  	s16 =	simm.s32 $0xA080;
	s17 =	simm.s32 $0xA880;
	s0 =	sand.u32 $0x1, s0  }
0x9: {  	s3 =	sshll.u32 s2, $0x7;
	s2 =	simm.s32 $0x0;
	s4 =	sshll.u32 s0, $0x6  }
0xa: {  	s6 =	sadd.s32 $0x9AF00, s1;
	[smem:$0x7FF] =	sst s2;
	s3 =	sor.u32 s4, s3  }
0xb: {  	s0 =	ssub.s32 $0x2, s0;
	_ =	strace $0x80000047;
	s4 =	sshll.u32 s3, $0x7  }
0xc: {  	s5 =	sshrl.u32 s0, $0x1;
	s3 =	sshrl.u32 s3, $0x3;
	s4 =	sadd.s32 s4, s1  }
0xd: {  	s0 =	ssub.s32 s0, s5;
	s7 =	sadd.s32 s3, s1;
	s4 =	sadd.s32 $0x1AC00, s4  }
0xe: {  	s5 =	sadd.s32 $0x9AE00, s1;
	s25 =	sadd.s32 $0x1A800, s7;
	[dreg:$0x2] =	wrdreg s4  }
0xf: {  	v2 =	vlaneseq.u32;
	s3 =	sadd.s32 $0x9AC00, s1;
	s26 =	sadd.s32 $0x1AA00, s7;
	[dreg:$0x3] =	wrdreg s25  }
0x10: {  	vm0 =	vmmov $0xffff;
	v1 =	vshrl.u32 v2, $0x3;
	s7 =	smax.u32 s0, $0x1;
	s4 =	sadd.s32 $0x9AD00, s1;
	[dreg:$0x4] =	wrdreg s26  }
0x11: {  	v0 =	vand.u32 $0x7, v2;
	v2 =	vor.u32 $0x8, v2;
	v1 =	vmul.u32 $0x8, v1;
	s25 =	simm.s32 $0x3080;
	s26 =	simm.s32 $0x3880;
	s1 =	simm.s32 $0x6080  }
.LBB2_1:
0x12: {  	s19 =	rddreg [dreg:$0x2];
	s0 =	simm.s32 $0x80  }
0x13: {  	[tilespmem:s0], [sflag:$0x2] =	stream.linear.gather [hbm4b:s19+s2], $0x10000, $0x38;
	[tilespmem:$0x10080] =	vst v63  }
0x14: {  	_ =	swait.ge [sflag:s9], $0x10000  }
0x15: {  	[sflag:s9] =	ssyncset.done $0x0  }
0x16: {  	s8 =	rddreg [dreg:$0x3];
	[sflag:s9] =	ssyncadd.s32 $0xFFFF0000  }
0x17: {  	[tilespmem:s2], [sflag:$0x2] =	stream.linear.gather [hbm4b:s8+s2], $0x40, $0x38;
	[tilespmem:$0x10080] =	vst v63  }
0x18: {  	_ =	swait.ge [sflag:s9], $0x40  }
0x19: {  	[sflag:s9] =	ssyncset.done $0x0  }
0x1a: {  	[sflag:s9] =	ssyncadd.s32 $0xFFFFFFC0  }
0x1b: {  	v3 =	vld [tilespmem:$0x0];
	_ =	sdelay $0x4  }
0x1c: {  	v4 =	vshll.u32 v3, $0x3  }
0x1d: {  	v3 =	vand.u32 $0x7, v3;
	v4 =	vand.u32 $0xFFFFFFC0, v4  }
0x1e: {  	v3 =	vor.u32 v3, v4  }
0x1f: {  	v4 =	vperm.xlane v3, v0;
	_ =	sdelay $0x1  }
0x20: {  	v4 =	vadd.s32 v1, v4;
	_ =	sdelay $0x4  }
0x21: {  	[hbm4b:s3+s2] =	stream.indirect_vreg.scatter [tilespmem:s0], [sflag:$0x1], $0x80, v4, vm0, $0xb8;
	[tilespmem:$0x10080] =	vst v63  }
0x22: {  	v3 =	vperm.xlane v3, v2  }
0x23: {  	[hbm4b:s4+s2] =	stream.indirect_vreg.scatter [tilespmem:s20], [sflag:$0x1], $0x80, v4, vm0, $0xb8;
	[tilespmem:$0x10080] =	vst v63  }
0x24: {  	v3 =	vadd.s32 v1, v3  }
0x25: {  	[hbm4b:s5+s2] =	stream.indirect_vreg.scatter [tilespmem:s21], [sflag:$0x1], $0x80, v4, vm0, $0xb8;
	[tilespmem:$0x10080] =	vst v63  }
0x26: {  	_ = 	snop  }
0x27: {  	[hbm4b:s6+s2] =	stream.indirect_vreg.scatter [tilespmem:s22], [sflag:$0x1], $0x80, v4, vm0, $0xb8;
	[tilespmem:$0x10080] =	vst v63  }
0x28: {  	_ = 	snop  }
0x29: {  	[hbm4b:s3+s2] =	stream.indirect_vreg.scatter [tilespmem:s23], [sflag:$0x1], $0x80, v3, vm0, $0xb8;
	[tilespmem:$0x10080] =	vst v63  }
0x2a: {  	_ = 	snop  }
0x2b: {  	[hbm4b:s4+s2] =	stream.indirect_vreg.scatter [tilespmem:s24], [sflag:$0x1], $0x80, v3, vm0, $0xb8;
	[tilespmem:$0x10080] =	vst v63  }
0x2c: {  	_ = 	snop  }
0x2d: {  	[hbm4b:s5+s2] =	stream.indirect_vreg.scatter [tilespmem:s25], [sflag:$0x1], $0x80, v3, vm0, $0xb8;
	[tilespmem:$0x10080] =	vst v63  }
0x2e: {  	_ = 	snop  }
0x2f: {  	[hbm4b:s6+s2] =	stream.indirect_vreg.scatter [tilespmem:s26], [sflag:$0x1], $0x80, v3, vm0, $0xb8;
	[tilespmem:$0x10080] =	vst v63  }
0x30: {  	v3 =	vld [tilespmem:$0x10];
	_ =	sdelay $0x4  }
0x31: {  	v57 =	vshll.u32 v3, $0x3  }
0x32: {  	v3 =	vand.u32 $0x7, v3;
	v4 =	vand.u32 $0xFFFFFFC0, v57  }
0x33: {  	v3 =	vor.u32 v3, v4  }
0x34: {  	v4 =	vperm.xlane v3, v0;
	_ =	sdelay $0x1  }
0x35: {  	v4 =	vadd.s32 v1, v4;
	_ =	sdelay $0x4  }
0x36: {  	[hbm4b:s3+s2] =	stream.indirect_vreg.scatter [tilespmem:s28], [sflag:$0x1], $0x80, v4, vm0, $0xb8;
	[tilespmem:$0x10080] =	vst v63  }
0x37: {  	v3 =	vperm.xlane v3, v2  }
0x38: {  	[hbm4b:s4+s2] =	stream.indirect_vreg.scatter [tilespmem:s29], [sflag:$0x1], $0x80, v4, vm0, $0xb8;
	[tilespmem:$0x10080] =	vst v63  }
0x39: {  	v3 =	vadd.s32 v1, v3  }
0x3a: {  	[hbm4b:s5+s2] =	stream.indirect_vreg.scatter [tilespmem:s30], [sflag:$0x1], $0x80, v4, vm0, $0xb8;
	[tilespmem:$0x10080] =	vst v63  }
0x3b: {  	_ = 	snop  }
0x3c: {  	[hbm4b:s6+s2] =	stream.indirect_vreg.scatter [tilespmem:s31], [sflag:$0x1], $0x80, v4, vm0, $0xb8;
	[tilespmem:$0x10080] =	vst v63  }
0x3d: {  	_ = 	snop  }
0x3e: {  	[hbm4b:s3+s2] =	stream.indirect_vreg.scatter [tilespmem:s1], [sflag:$0x1], $0x80, v3, vm0, $0xb8;
	[tilespmem:$0x10080] =	vst v63  }
0x3f: {  	s8 =	simm.s32 $0x6880  }
0x40: {  	[hbm4b:s4+s2] =	stream.indirect_vreg.scatter [tilespmem:s8], [sflag:$0x1], $0x80, v3, vm0, $0xb8;
	[tilespmem:$0x10080] =	vst v63  }
0x41: {  	_ = 	snop  }
0x42: {  	[hbm4b:s5+s2] =	stream.indirect_vreg.scatter [tilespmem:s10], [sflag:$0x1], $0x80, v3, vm0, $0xb8;
	[tilespmem:$0x10080] =	vst v63  }
0x43: {  	_ = 	snop  }
0x44: {  	[hbm4b:s6+s2] =	stream.indirect_vreg.scatter [tilespmem:s11], [sflag:$0x1], $0x80, v3, vm0, $0xb8;
	[tilespmem:$0x10080] =	vst v63  }
0x45: {  	v3 =	vld [tilespmem:$0x20];
	_ =	sdelay $0x4  }
0x46: {  	v58 =	vshll.u32 v3, $0x3  }
0x47: {  	v3 =	vand.u32 $0x7, v3;
	v4 =	vand.u32 $0xFFFFFFC0, v58  }
0x48: {  	v3 =	vor.u32 v3, v4  }
0x49: {  	v4 =	vperm.xlane v3, v0;
	_ =	sdelay $0x1  }
0x4a: {  	v4 =	vadd.s32 v1, v4;
	_ =	sdelay $0x4  }
0x4b: {  	[hbm4b:s3+s2] =	stream.indirect_vreg.scatter [tilespmem:s12], [sflag:$0x1], $0x80, v4, vm0, $0xb8;
	[tilespmem:$0x10080] =	vst v63  }
0x4c: {  	v3 =	vperm.xlane v3, v2  }
0x4d: {  	[hbm4b:s4+s2] =	stream.indirect_vreg.scatter [tilespmem:s13], [sflag:$0x1], $0x80, v4, vm0, $0xb8;
	[tilespmem:$0x10080] =	vst v63  }
0x4e: {  	v3 =	vadd.s32 v1, v3  }
0x4f: {  	[hbm4b:s5+s2] =	stream.indirect_vreg.scatter [tilespmem:s14], [sflag:$0x1], $0x80, v4, vm0, $0xb8;
	[tilespmem:$0x10080] =	vst v63  }
0x50: {  	_ = 	snop  }
0x51: {  	[hbm4b:s6+s2] =	stream.indirect_vreg.scatter [tilespmem:s15], [sflag:$0x1], $0x80, v4, vm0, $0xb8;
	[tilespmem:$0x10080] =	vst v63  }
0x52: {  	_ = 	snop  }
0x53: {  	[hbm4b:s3+s2] =	stream.indirect_vreg.scatter [tilespmem:s16], [sflag:$0x1], $0x80, v3, vm0, $0xb8;
	[tilespmem:$0x10080] =	vst v63  }
0x54: {  	_ = 	snop  }
0x55: {  	[hbm4b:s4+s2] =	stream.indirect_vreg.scatter [tilespmem:s17], [sflag:$0x1], $0x80, v3, vm0, $0xb8;
	[tilespmem:$0x10080] =	vst v63  }
0x56: {  	s8 =	simm.s32 $0xB080  }
0x57: {  	[hbm4b:s5+s2] =	stream.indirect_vreg.scatter [tilespmem:s8], [sflag:$0x1], $0x80, v3, vm0, $0xb8;
	[tilespmem:$0x10080] =	vst v63  }
0x58: {  	s19 =	simm.s32 $0xB880  }
0x59: {  	[hbm4b:s6+s2] =	stream.indirect_vreg.scatter [tilespmem:s19], [sflag:$0x1], $0x80, v3, vm0, $0xb8;
	[tilespmem:$0x10080] =	vst v63  }
0x5a: {  	v3 =	vld [tilespmem:$0x30];
	_ =	sdelay $0x4  }
0x5b: {  	v59 =	vshll.u32 v3, $0x3  }
0x5c: {  	v3 =	vand.u32 $0x7, v3;
	v4 =	vand.u32 $0xFFFFFFC0, v59  }
0x5d: {  	v3 =	vor.u32 v3, v4  }
0x5e: {  	v4 =	vperm.xlane v3, v0;
	_ =	sdelay $0x1  }
0x5f: {  	v4 =	vadd.s32 v1, v4;
	_ =	sdelay $0x3  }
0x60: {  	s19 =	simm.s32 $0xC080  }
0x61: {  	[hbm4b:s3+s2] =	stream.indirect_vreg.scatter [tilespmem:s19], [sflag:$0x1], $0x80, v4, vm0, $0xb8;
	[tilespmem:$0x10080] =	vst v63  }
0x62: {  	v3 =	vperm.xlane v3, v2;
	s19 =	simm.s32 $0xC880  }
0x63: {  	[hbm4b:s4+s2] =	stream.indirect_vreg.scatter [tilespmem:s19], [sflag:$0x1], $0x80, v4, vm0, $0xb8;
	[tilespmem:$0x10080] =	vst v63  }
0x64: {  	v3 =	vadd.s32 v1, v3;
	s19 =	simm.s32 $0xD080  }
0x65: {  	[hbm4b:s5+s2] =	stream.indirect_vreg.scatter [tilespmem:s19], [sflag:$0x1], $0x80, v4, vm0, $0xb8;
	[tilespmem:$0x10080] =	vst v63  }
0x66: {  	s19 =	simm.s32 $0xD880  }
0x67: {  	[hbm4b:s6+s2] =	stream.indirect_vreg.scatter [tilespmem:s19], [sflag:$0x1], $0x80, v4, vm0, $0xb8;
	[tilespmem:$0x10080] =	vst v63  }
0x68: {  	s19 =	simm.s32 $0xE080  }
0x69: {  	[hbm4b:s3+s2] =	stream.indirect_vreg.scatter [tilespmem:s19], [sflag:$0x1], $0x80, v3, vm0, $0xb8;
	[tilespmem:$0x10080] =	vst v63  }
0x6a: {  	s19 =	simm.s32 $0xE880  }
0x6b: {  	[hbm4b:s4+s2] =	stream.indirect_vreg.scatter [tilespmem:s19], [sflag:$0x1], $0x80, v3, vm0, $0xb8;
	[tilespmem:$0x10080] =	vst v63  }
0x6c: {  	s19 =	simm.s32 $0xF080  }
0x6d: {  	[hbm4b:s5+s2] =	stream.indirect_vreg.scatter [tilespmem:s19], [sflag:$0x1], $0x80, v3, vm0, $0xb8;
	[tilespmem:$0x10080] =	vst v63  }
0x6e: {  	s19 =	simm.s32 $0xF880  }
0x6f: {  	[hbm4b:s6+s2] =	stream.indirect_vreg.scatter [tilespmem:s19], [sflag:$0x1], $0x80, v3, vm0, $0xb8;
	[tilespmem:$0x10080] =	vst v63  }
0x70: {  	_ =	swait.ge [sflag:s18], $0x10000  }
0x71: {  	[sflag:s18] =	ssyncset.done $0x0  }
0x72: {  	s19 =	rddreg [dreg:$0x4];
	[sflag:s18] =	ssyncadd.s32 $0xFFFF0000  }
0x73: {  	[tilespmem:s2], [sflag:$0x2] =	stream.linear.gather [hbm4b:s19+s2], $0x40, $0x38;
	[tilespmem:$0x10080] =	vst v63  }
0x74: {  	_ =	swait.ge [sflag:s9], $0x40  }
0x75: {  	[sflag:s9] =	ssyncset.done $0x0  }
0x76: {  	[sflag:s9] =	ssyncadd.s32 $0xFFFFFFC0  }
0x77: {  	v3 =	vld [tilespmem:$0x0];
	_ =	sdelay $0x4  }
0x78: {  	v60 =	vshll.u32 v3, $0x3  }
0x79: {  	v3 =	vand.u32 $0x7, v3;
	v4 =	vand.u32 $0xFFFFFFC0, v60  }
0x7a: {  	v3 =	vor.u32 v3, v4  }
0x7b: {  	v4 =	vperm.xlane v3, v0;
	_ =	sdelay $0x1  }
0x7c: {  	v4 =	vadd.s32 v1, v4;
	_ =	sdelay $0x4  }
0x7d: {  	[hbm4b:s3+s2] =	stream.indirect_vreg.scatter [tilespmem:s0], [sflag:$0x1], $0x80, v4, vm0, $0xb8;
	[tilespmem:$0x10080] =	vst v63  }
0x7e: {  	v3 =	vperm.xlane v3, v2  }
0x7f: {  	[hbm4b:s4+s2] =	stream.indirect_vreg.scatter [tilespmem:s20], [sflag:$0x1], $0x80, v4, vm0, $0xb8;
	[tilespmem:$0x10080] =	vst v63  }
0x80: {  	v3 =	vadd.s32 v1, v3  }
0x81: {  	[hbm4b:s5+s2] =	stream.indirect_vreg.scatter [tilespmem:s21], [sflag:$0x1], $0x80, v4, vm0, $0xb8;
	[tilespmem:$0x10080] =	vst v63  }
0x82: {  	_ = 	snop  }
0x83: {  	[hbm4b:s6+s2] =	stream.indirect_vreg.scatter [tilespmem:s22], [sflag:$0x1], $0x80, v4, vm0, $0xb8;
	[tilespmem:$0x10080] =	vst v63  }
0x84: {  	_ = 	snop  }
0x85: {  	[hbm4b:s3+s2] =	stream.indirect_vreg.scatter [tilespmem:s23], [sflag:$0x1], $0x80, v3, vm0, $0xb8;
	[tilespmem:$0x10080] =	vst v63  }
0x86: {  	_ = 	snop  }
0x87: {  	[hbm4b:s4+s2] =	stream.indirect_vreg.scatter [tilespmem:s24], [sflag:$0x1], $0x80, v3, vm0, $0xb8;
	[tilespmem:$0x10080] =	vst v63  }
0x88: {  	_ = 	snop  }
0x89: {  	[hbm4b:s5+s2] =	stream.indirect_vreg.scatter [tilespmem:s25], [sflag:$0x1], $0x80, v3, vm0, $0xb8;
	[tilespmem:$0x10080] =	vst v63  }
0x8a: {  	_ = 	snop  }
0x8b: {  	[hbm4b:s6+s2] =	stream.indirect_vreg.scatter [tilespmem:s26], [sflag:$0x1], $0x80, v3, vm0, $0xb8;
	[tilespmem:$0x10080] =	vst v63  }
0x8c: {  	v3 =	vld [tilespmem:$0x10];
	_ =	sdelay $0x4  }
0x8d: {  	v61 =	vshll.u32 v3, $0x3  }
0x8e: {  	v3 =	vand.u32 $0x7, v3;
	v4 =	vand.u32 $0xFFFFFFC0, v61  }
0x8f: {  	v3 =	vor.u32 v3, v4  }
0x90: {  	v4 =	vperm.xlane v3, v0;
	_ =	sdelay $0x1  }
0x91: {  	v4 =	vadd.s32 v1, v4;
	_ =	sdelay $0x4  }
0x92: {  	[hbm4b:s3+s2] =	stream.indirect_vreg.scatter [tilespmem:s28], [sflag:$0x1], $0x80, v4, vm0, $0xb8;
	[tilespmem:$0x10080] =	vst v63  }
0x93: {  	v3 =	vperm.xlane v3, v2  }
0x94: {  	[hbm4b:s4+s2] =	stream.indirect_vreg.scatter [tilespmem:s29], [sflag:$0x1], $0x80, v4, vm0, $0xb8;
	[tilespmem:$0x10080] =	vst v63  }
0x95: {  	v3 =	vadd.s32 v1, v3  }
0x96: {  	[hbm4b:s5+s2] =	stream.indirect_vreg.scatter [tilespmem:s30], [sflag:$0x1], $0x80, v4, vm0, $0xb8;
	[tilespmem:$0x10080] =	vst v63  }
0x97: {  	_ = 	snop  }
0x98: {  	[hbm4b:s6+s2] =	stream.indirect_vreg.scatter [tilespmem:s31], [sflag:$0x1], $0x80, v4, vm0, $0xb8;
	[tilespmem:$0x10080] =	vst v63  }
0x99: {  	_ = 	snop  }
0x9a: {  	[hbm4b:s3+s2] =	stream.indirect_vreg.scatter [tilespmem:s1], [sflag:$0x1], $0x80, v3, vm0, $0xb8;
	[tilespmem:$0x10080] =	vst v63  }
0x9b: {  	s19 =	simm.s32 $0x6880  }
0x9c: {  	[hbm4b:s4+s2] =	stream.indirect_vreg.scatter [tilespmem:s19], [sflag:$0x1], $0x80, v3, vm0, $0xb8;
	[tilespmem:$0x10080] =	vst v63  }
0x9d: {  	_ = 	snop  }
0x9e: {  	[hbm4b:s5+s2] =	stream.indirect_vreg.scatter [tilespmem:s10], [sflag:$0x1], $0x80, v3, vm0, $0xb8;
	[tilespmem:$0x10080] =	vst v63  }
0x9f: {  	_ = 	snop  }
0xa0: {  	[hbm4b:s6+s2] =	stream.indirect_vreg.scatter [tilespmem:s11], [sflag:$0x1], $0x80, v3, vm0, $0xb8;
	[tilespmem:$0x10080] =	vst v63  }
0xa1: {  	v3 =	vld [tilespmem:$0x20];
	_ =	sdelay $0x4  }
0xa2: {  	v62 =	vshll.u32 v3, $0x3  }
0xa3: {  	v3 =	vand.u32 $0x7, v3;
	v4 =	vand.u32 $0xFFFFFFC0, v62  }
0xa4: {  	v3 =	vor.u32 v3, v4  }
0xa5: {  	v4 =	vperm.xlane v3, v0;
	_ =	sdelay $0x1  }
0xa6: {  	v4 =	vadd.s32 v1, v4;
	_ =	sdelay $0x4  }
0xa7: {  	[hbm4b:s3+s2] =	stream.indirect_vreg.scatter [tilespmem:s12], [sflag:$0x1], $0x80, v4, vm0, $0xb8;
	[tilespmem:$0x10080] =	vst v63  }
0xa8: {  	v3 =	vperm.xlane v3, v2  }
0xa9: {  	[hbm4b:s4+s2] =	stream.indirect_vreg.scatter [tilespmem:s13], [sflag:$0x1], $0x80, v4, vm0, $0xb8;
	[tilespmem:$0x10080] =	vst v63  }
0xaa: {  	v3 =	vadd.s32 v1, v3  }
0xab: {  	[hbm4b:s5+s2] =	stream.indirect_vreg.scatter [tilespmem:s14], [sflag:$0x1], $0x80, v4, vm0, $0xb8;
	[tilespmem:$0x10080] =	vst v63  }
0xac: {  	_ = 	snop  }
0xad: {  	[hbm4b:s6+s2] =	stream.indirect_vreg.scatter [tilespmem:s15], [sflag:$0x1], $0x80, v4, vm0, $0xb8;
	[tilespmem:$0x10080] =	vst v63  }
0xae: {  	_ = 	snop  }
0xaf: {  	[hbm4b:s3+s2] =	stream.indirect_vreg.scatter [tilespmem:s16], [sflag:$0x1], $0x80, v3, vm0, $0xb8;
	[tilespmem:$0x10080] =	vst v63  }
0xb0: {  	_ = 	snop  }
0xb1: {  	[hbm4b:s4+s2] =	stream.indirect_vreg.scatter [tilespmem:s17], [sflag:$0x1], $0x80, v3, vm0, $0xb8;
	[tilespmem:$0x10080] =	vst v63  }
0xb2: {  	_ = 	snop  }
0xb3: {  	[hbm4b:s5+s2] =	stream.indirect_vreg.scatter [tilespmem:s8], [sflag:$0x1], $0x80, v3, vm0, $0xb8;
	[tilespmem:$0x10080] =	vst v63  }
0xb4: {  	s19 =	simm.s32 $0xB880  }
0xb5: {  	[hbm4b:s6+s2] =	stream.indirect_vreg.scatter [tilespmem:s19], [sflag:$0x1], $0x80, v3, vm0, $0xb8;
	[tilespmem:$0x10080] =	vst v63  }
0xb6: {  	v3 =	vld [tilespmem:$0x30];
	_ =	sdelay $0x4  }
0xb7: {  	v63 =	vshll.u32 v3, $0x3  }
0xb8: {  	v3 =	vand.u32 $0x7, v3;
	v4 =	vand.u32 $0xFFFFFFC0, v63  }
0xb9: {  	v3 =	vor.u32 v3, v4  }
0xba: {  	v4 =	vperm.xlane v3, v0;
	_ =	sdelay $0x1  }
0xbb: {  	v4 =	vadd.s32 v1, v4;
	_ =	sdelay $0x3  }
0xbc: {  	s8 =	simm.s32 $0xC080  }
0xbd: {  	[hbm4b:s3+s2] =	stream.indirect_vreg.scatter [tilespmem:s8], [sflag:$0x1], $0x80, v4, vm0, $0xb8;
	[tilespmem:$0x10080] =	vst v63  }
0xbe: {  	s19 =	simm.s32 $0xC880;
	v3 =	vperm.xlane v3, v2  }
0xbf: {  	[hbm4b:s4+s2] =	stream.indirect_vreg.scatter [tilespmem:s19], [sflag:$0x1], $0x80, v4, vm0, $0xb8;
	[tilespmem:$0x10080] =	vst v63  }
0xc0: {  	v3 =	vadd.s32 v1, v3;
	s8 =	simm.s32 $0xD080  }
0xc1: {  	[hbm4b:s5+s2] =	stream.indirect_vreg.scatter [tilespmem:s8], [sflag:$0x1], $0x80, v4, vm0, $0xb8;
	[tilespmem:$0x10080] =	vst v63  }
0xc2: {  	s19 =	simm.s32 $0xD880  }
0xc3: {  	[hbm4b:s6+s2] =	stream.indirect_vreg.scatter [tilespmem:s19], [sflag:$0x1], $0x80, v4, vm0, $0xb8;
	[tilespmem:$0x10080] =	vst v63  }
0xc4: {  	s8 =	simm.s32 $0xE080  }
0xc5: {  	[hbm4b:s3+s2] =	stream.indirect_vreg.scatter [tilespmem:s8], [sflag:$0x1], $0x80, v3, vm0, $0xb8;
	[tilespmem:$0x10080] =	vst v63  }
0xc6: {  	s19 =	simm.s32 $0xE880  }
0xc7: {  	[hbm4b:s4+s2] =	stream.indirect_vreg.scatter [tilespmem:s19], [sflag:$0x1], $0x80, v3, vm0, $0xb8;
	[tilespmem:$0x10080] =	vst v63  }
0xc8: {  	p0 =	sne.s32 s7, $0x1;
	s8 =	simm.s32 $0xF080  }
0xc9: {  	[hbm4b:s5+s2] =	stream.indirect_vreg.scatter [tilespmem:s8], [sflag:$0x1], $0x80, v3, vm0, $0xb8;
	[tilespmem:$0x10080] =	vst v63  }
.Ltmp0:
0xca: {  	s19 =	simm.s32 $0xF880;
	(pc) =	sbr.rel @p0 .LBB2_1-.Ltmp0, $4  }
0xcb: {  	[hbm4b:s6+s2] =	stream.indirect_vreg.scatter [tilespmem:s19], [sflag:$0x1], $0x80, v3, vm0, $0xb8;
	[tilespmem:$0x10080] =	vst v63  }
0xcc: {  	_ =	swait.ge [sflag:s18], $0x10000  }
0xcd: {  	[sflag:s18] =	ssyncset.done $0x0  }
0xce: {  	s7 =	sadd.s32 $0xFFFFFFFF, s7;
	[sflag:s18] =	ssyncadd.s32 $0xFFFF0000  }
0xcf: {  	_ =	sfence.sel $0x180000  }
0xd0: {  	[bflag:$0x0] =	sbarrier.arrive $0xFFFF  }
0xd1: {  	_ =	strace $0x90000047  }
0xd2: {  	s0 =	stileid.u32;
	[bflag:$0x2] =	sbarrier.arrive $0xFFFF  }
0xd3: {  	p0 =	sne.s32 s0, $0x0;
	s0 =	rddreg [dreg:$0x1]  }
0xd4: {  	s0 =	sadd.s32 @!p0 $0x100000, s0  }
0xd5: {  	[sflag:s0] =	ssyncadd.tile.s32 @!p0 $0x1;
	_ =	shalt  }
.Lfunc_end2:
_tile_overlayer_lowered:
.L_overlay_start_2:
0xd6: {  	(tag) =	ssettag $0x2  }
0xd7: {  	s0 =	rddreg [dreg:$0x0];
	s2 =	stileid.u32  }
0xd8: {  	s1 =	rddreg [dreg:$0x1];
	p0 =	sne.s32 s2, $0x0  }
0xd9: {  	s3 =	rddreg [dreg:$0x2];
	[bflag:$0x3] =	sbarrier.arrive $0xFFFF;
	s2 =	simm.s32 @!p0 $0x1C02  }
0xda: {  	[timem:s3], [sflag:s2] =	dma.local @!p0 [hbm:s0], s1  }
0xdb: {  	s0 =	simm.s32 @!p0 $0x2  }
0xdc: {  	_ =	swait.ge @!p0 [sflag:s0], s1  }
0xdd: {  	s1 =	ssub.s32 @!p0 $0x0, s1;
	[sflag:s0] =	ssyncset.done @!p0 $0x0  }
0xde: {  	[sflag:s0] =	ssyncadd.s32 @!p0 s1  }
0xdf: {  	[bflag:$0x3] =	sbarrier.arrive $0xFFFF  }
0xe0: {  	_ =	shalt  }

// kernel: kernel.15.cloned.1.call-start
scs
__scs_entry_jumppad:
0x0: {  	(pc) =	sbr.rel $0x88, $3  }
0x1: {  	(tag) =	ssettag $0x0;
	lr =	simm.s32 $0x1  }
0x2: {  	[smem:$0x3F9E] =	sst lr;
	_ =	strace $0xD0000000  }
0x3: {  	_ = 	snop  }
0x4: {  	_ = 	snop  }
0x5: {  	_ = 	snop  }
0x6: {  	_ = 	snop  }
0x7: {  	_ = 	snop  }
__scs_overlays_trampoline_lowered:
0x8: {  	[smem:$0x3FAD] =	sst s0  }
0x9: {  	[smem:$0x3FAE] =	sst s1  }
0xa: {  	[smem:$0x3FAF] =	sst s2  }
0xb: {  	[smem:$0x3FB0] =	sst s3  }
0xc: {  	[smem:$0x3FB1] =	sst s4  }
0xd: {  	[smem:$0x3FB2] =	sst s5  }
0xe: {  	[smem:$0x3FB3] =	sst s6  }
0xf: {  	[smem:$0x3FB4] =	sst s7  }
0x10: {  	[smem:$0x3FB5] =	sst s8  }
0x11: {  	[smem:$0x3FB6] =	sst s9;
	s0 =	simm.s32 @!p0 $0x0  }
0x12: {  	s1 =	sld [smem:$0x3F9C];
	s0 =	simm.s32 @p0 $0x1  }
0x13: {  	[smem:$0x3FB7] =	sst s0;
	s0 =	simm.s32 @!p1 $0x0  }
0x14: {  	s2 =	sld [smem:$0x3F9B];
	s0 =	simm.s32 @p1 $0x1  }
0x15: {  	[smem:$0x3FB8] =	sst s0;
	s0 =	simm.s32 @!p2 $0x0  }
0x16: {  	s3 =	sld [smem:$0x3FDB];
	s0 =	simm.s32 @p2 $0x1  }
0x17: {  	s4 =	simm.s32 $0x1BF5;
	[smem:$0x3FBA] =	sst s0  }
0x18: {  	s0 =	sld [smem:$0x3F9D];
	_ =	swait.ge [sflag:s4], $0x0  }
0x19: {  	s7 =	sld [smem:$0x3F9E]  }
0x1a: {  	s8 =	sadd.s32 $0xFFFFE003, lr  }
0x1b: {  	s9 =	sadd.s32 $0xFFFFFEF7, lr;
	s5 =	simm.s32 $0xFFFFFFFF;
	p2 =	slt.u32 s8, $0xFFFFF086  }
0x1c: {  	p1 =	slt.u32 s9, $0xF7A;
	s5 =	simm.s32 @!p2 $0x0  }
0x1d: {  	s5 =	simm.s32 @p1 $0x1;
	p0 =	seq.s32 s7, s2  }
0x1e: {  	s7 =	smul.u32 @!p0 $0xF7A, s2;
	p2 =	seq.s32 @!p0 s5, $0x0  }
0x1f: {  	s9 =	smul.u32 $0xF7A, s1;
	s8 =	simm.s32 @!p0 $0x1BF5;
	p2 =	por !p2, p0  }
0x20: {  	[sflag:s8] =	ssyncset.s32 @!p0 $0xFFFFF086;
	s6 =	sadd.s32 @!p0 s3, s7;
	s7 =	simm.s32 @!p0 $0x108  }
0x21: {  	s3 =	sadd.s32 s3, s9;
	s6 =	sadd.s32 @!p0 $0x88, s6;
	s7 =	simm.s32 @p2 $0x1082  }
0x22: {  	[simem:s7], [sflag:s8] =	dma.local @!p0 [hbm:s6], $0xF7A  }
0x23: {  	s9 =	sor.u32 $0xD0000000, s2;
	s6 =	simm.s32 $0x108;
	_ =	swait.ge @!p0 [sflag:s8], $0x0  }
0x24: {  	s3 =	sadd.s32 $0x88, s3;
	s6 =	simm.s32 @!p1 $0x1082;
	[sflag:s4] =	ssyncset.s32 $0xFFFFF086  }
0x25: {  	[simem:s6], [sflag:s4] =	dma.local [hbm:s3], $0xF7A  }
0x26: {  	[smem:$0x3F9E] =	sst s1;
	(tag) =	ssettag s2;
	_ =	strace s9  }
0x27: {  	s1 =	sld [smem:$0x3FAE]  }
0x28: {  	s2 =	sld [smem:$0x3FAF]  }
0x29: {  	s4 =	sld [smem:$0x3FB1]  }
0x2a: {  	p0 =	seq.s32 s5, $0x0;
	s5 =	sld [smem:$0x3FB2]  }
0x2b: {  	s6 =	sld [smem:$0x3FB3]  }
0x2c: {  	s7 =	sld [smem:$0x3FB4]  }
0x2d: {  	s3 =	simm.s32 $0x108;
	s8 =	sld [smem:$0x3FB5]  }
0x2e: {  	s3 =	simm.s32 @!p0 $0x1082;
	s9 =	sld [smem:$0x3FB6]  }
0x2f: {  	lr =	sadd.s32 s0, s3;
	s0 =	sld [smem:$0x3FAD]  }
0x30: {  	s3 =	sld [smem:$0x3FB0]  }
0x31: {  	[smem:$0x3FB9] =	sst s10  }
0x32: {  	s10 =	sld [smem:$0x3FB7];
	_ =	sdelay $0x3  }
0x33: {  	p0 =	seq.s32 s10, $0x1;
	s10 =	sld [smem:$0x3FB9];
	_ =	sdelay $0x3  }
0x34: {  	[smem:$0x3FB9] =	sst s10  }
0x35: {  	s10 =	sld [smem:$0x3FB8];
	_ =	sdelay $0x3  }
0x36: {  	p1 =	seq.s32 s10, $0x1;
	s10 =	sld [smem:$0x3FB9];
	_ =	sdelay $0x3  }
0x37: {  	[smem:$0x3FB9] =	sst s10  }
0x38: {  	s10 =	sld [smem:$0x3FBA]  }
0x39: {  	_ = 	snop;
	(pc) =	sbr.ind lr, $3  }
0x3a: {  	_ = 	snop  }
0x3b: {  	_ = 	snop  }
0x3c: {  	p2 =	seq.s32 s10, $0x1;
	s10 =	sld [smem:$0x3FB9]  }
0x3d: {  	_ =	shalt  }
0x3e: {  	_ =	shalt  }
0x3f: {  	_ =	shalt  }
0x40: {  	_ =	shalt  }
0x41: {  	_ =	shalt  }
0x42: {  	_ =	shalt  }
0x43: {  	_ =	shalt  }
0x44: {  	_ =	shalt  }
0x45: {  	_ =	shalt  }
0x46: {  	_ =	shalt  }
0x47: {  	_ =	shalt  }
0x48: {  	_ =	shalt  }
0x49: {  	_ =	shalt  }
0x4a: {  	_ =	shalt  }
0x4b: {  	_ =	shalt  }
0x4c: {  	_ =	shalt  }
0x4d: {  	_ =	shalt  }
0x4e: {  	_ =	shalt  }
0x4f: {  	_ =	shalt  }
0x50: {  	_ =	shalt  }
0x51: {  	_ =	shalt  }
0x52: {  	_ =	shalt  }
0x53: {  	_ =	shalt  }
0x54: {  	_ =	shalt  }
0x55: {  	_ =	shalt  }
0x56: {  	_ =	shalt  }
0x57: {  	_ =	shalt  }
0x58: {  	_ =	shalt  }
0x59: {  	_ =	shalt  }
0x5a: {  	_ =	shalt  }
0x5b: {  	_ =	shalt  }
0x5c: {  	_ =	shalt  }
0x5d: {  	_ =	shalt  }
0x5e: {  	_ =	shalt  }
0x5f: {  	_ =	shalt  }
0x60: {  	_ =	shalt  }
0x61: {  	_ =	shalt  }
0x62: {  	_ =	shalt  }
0x63: {  	_ =	shalt  }
0x64: {  	_ =	shalt  }
0x65: {  	_ =	shalt  }
0x66: {  	_ =	shalt  }
0x67: {  	_ =	shalt  }
0x68: {  	_ =	shalt  }
0x69: {  	_ =	shalt  }
0x6a: {  	_ =	shalt  }
0x6b: {  	_ =	shalt  }
0x6c: {  	_ =	shalt  }
0x6d: {  	_ =	shalt  }
0x6e: {  	_ =	shalt  }
0x6f: {  	_ =	shalt  }
0x70: {  	_ =	shalt  }
0x71: {  	_ =	shalt  }
0x72: {  	_ =	shalt  }
0x73: {  	_ =	shalt  }
0x74: {  	_ =	shalt  }
0x75: {  	_ =	shalt  }
0x76: {  	_ =	shalt  }
0x77: {  	_ =	shalt  }
0x78: {  	_ =	shalt  }
0x79: {  	_ =	shalt  }
0x7a: {  	_ =	shalt  }
0x7b: {  	_ =	shalt  }
0x7c: {  	_ =	shalt  }
0x7d: {  	_ =	shalt  }
0x7e: {  	_ =	shalt  }
0x7f: {  	_ =	shalt  }
0x80: {  	_ =	shalt  }
0x81: {  	_ =	shalt  }
0x82: {  	_ =	shalt  }
0x83: {  	_ =	shalt  }
0x84: {  	_ =	shalt  }
0x85: {  	_ =	shalt  }
0x86: {  	_ =	shalt  }
0x87: {  	_ =	shalt  }
.Lfunc_end0:
.L_simem_size_0:
called_computation.1_lowered:
.L_overlay_start_0:
0x88: {  	s2 =	sld [smem:$0x3FD9]  }
0x89: {  	s3 =	sld [smem:$0x3FFE];
	_ =	sdelay $0x1  }
0x8a: {  	s1 =	srdreg.scid  }
0x8b: {  	s0 =	sand.u32 $0x1, s1  }
0x8c: {  	s17 =	sshll.u32 s0, $0xA;
	s2 =	sadd.s32 s3, s2  }
0x8d: {  	s2 =	sadd.s32 s2, s17  }
0x8e: {  	[smem:$0x3FC5] =	sst s2  }
0x8f: {  	_ = 	snop  }
0x90: {  	(tm) =	ssettm $0x1  }
0x91: {  	s18 =	sld [smem:$0x3FFB];
	_ =	sdelay $0x3  }
0x92: {  	_ =	strace s18  }
0x93: {  	s2 =	sld [smem:$0x3FFC];
	_ =	sdelay $0x3  }
0x94: {  	_ =	strace s2  }
0x95: {  	s2 =	sld [smem:$0x3FFD];
	_ =	sdelay $0x3  }
0x96: {  	_ =	strace s2  }
0x97: {  	_ =	strace $0x8FFFFFFF  }
0x98: {  	s19 =	sld [smem:$0x3FDB];
	_ =	sdelay $0x1  }
0x99: {  	s20 =	simm.s32 $_scs_section_size  }
0x9a: {  	s4 =	simm.s32 $_size__tile_overlayer_lowered;
	s5 =	simm.s32 $_tile_overlayer_lowered  }
0x9b: {  	s6 =	simm.s32 $0x1BFF;
	s21 =	sshll.u32 s5, $0x1;
	s3 =	sadd.s32 s20, s19  }
0x9c: {  	s22 =	simm.s32 $0x0;
	s4 =	sshll.u32 s4, $0x1;
	s5 =	sadd.s32 s21, s3  }
0x9d: {  	[timem:s22], [sflag:s6] =	dma.local [hbm:s5], s4  }
0x9e: {  	_ =	swait.ge [sflag:s6], s4  }
0x9f: {  	s4 =	ssub.s32 $0x0, s4;
	[sflag:s6] =	ssyncset.done $0x0  }
0xa0: {  	[sflag:s6] =	ssyncadd.s32 s4;
	_ =	sdelay $0x1  }
0xa1: {  	s23 =	simm.s32 $0x1B8B  }
0xa2: {  	_ =	swait.ge [sflag:s23], $0x1  }
0xa3: {  	[sflag:s23] =	ssyncset.done $0x0  }
0xa4: {  	[sflag:s23] =	ssyncadd.s32 $0xFFFFFFFF  }
0xa5: {  	s4 =	sld [smem:$0x0]  }
0xa6: {  	s5 =	sand.u32 $0xFFFFFFFE, s1  }
0xa7: {  	p0 =	sne.s32 s1, s5  }
0xa8: {  	s5 =	sshll.u32 @p0 s5, $0xE  }
0xa9: {  	s5 =	sadd.s32 @p0 $0x11B8D, s5;
	s6 =	sshll.u32 @p0 s4, $0x11  }
0xaa: {  	s5 =	sor.u32 @p0 s6, s5  }
0xab: {  	[sflag:s5] =	ssyncadd.remote.s32 @p0 $0x1;
	_ =	sdelay $0x1  }
0xac: {  	s5 =	simm.s32 @p0 $0x1B8D  }
0xad: {  	_ =	swait.eq @p0 [sflag:s5], $0x1  }
0xae: {  	[sflag:s5] =	ssyncadd.s32 @p0 $0xFFFFFFFF  }
0xaf: {  	s6 =	sshll.u32 @!p0 s1, $0xE  }
0xb0: {  	s6 =	sor.u32 @!p0 $0x4000, s6;
	s5 =	simm.s32 @!p0 $0x1B8D  }
0xb1: {  	s4 =	sshll.u32 @!p0 s4, $0x11;
	s6 =	sadd.s32 @!p0 $0x11B8D, s6;
	_ =	swait.eq @!p0 [sflag:s5], $0x1  }
0xb2: {  	s4 =	sor.u32 @!p0 s4, s6;
	[sflag:s5] =	ssyncadd.s32 @!p0 $0xFFFFFFFF  }
0xb3: {  	s25 =	simm.s32 $0x1B8E;
	s24 =	sld [smem:$0x3FFE];
	[sflag:s4] =	ssyncadd.remote.s32 @!p0 $0x1  }
0xb4: {  	s26 =	simm.s32 $execute0_lowered;
	[smem:$0x3FD2] =	sst s25  }
0xb5: {  	s5 =	sshll.u32 s26, $0x1;
	_ =	strace $0x8000004C;
	[dreg:$0x1] =	wrdreg $0xFFFFFFFF  }
0xb6: {  	s28 =	simm.s32 $_size_execute0_lowered;
	s3 =	sadd.s32 s3, s5;
	[dreg:$0x0] =	wrdreg $0x0  }
0xb7: {  	s5 =	sshll.u32 s28, $0x1;
	[dreg:$0x2] =	wrdreg s3  }
0xb8: {  	[dreg:$0x3] =	wrdreg s5  }
0xb9: {  	[dreg:$0x4] =	wrdreg $0xC0  }
0xba: {  	_ =	task [dreg:s22], $0x5FFFF  }
0xbb: {  	[dreg:$0x1] =	wrdreg $0xFFFFFFFF  }
0xbc: {  	[dreg:$0x0] =	wrdreg $0x60  }
0xbd: {  	[dreg:$0x2] =	wrdreg s24  }
0xbe: {  	[dreg:$0x3] =	wrdreg $0x9  }
0xbf: {  	_ =	task.clear_ibuf [dreg:s22], $0x4FFFF;
	_ =	strace $0x9000004C  }
0xc0: {  	s29 =	simm.s32 $0x9;
	_ =	strace $0x8000004E  }
0xc1: {  	_ =	swait.ge [sflag:s29], $0x1  }
0xc2: {  	[sflag:s29] =	ssyncadd.s32 $0xFFFFFFFF  }
0xc3: {  	_ =	strace $0x9000004E  }
0xc4: {  	_ =	sfence  }
0xc5: {  	s30 =	sld [smem:$0x0];
	_ =	sdelay $0x2  }
0xc6: {  	s31 =	sshll.u32 s1, $0xD;
	s1 =	sshrl.u32 s1, $0x2  }
0xc7: {  	s4 =	sand.u32 $0x4000, s31;
	s1 =	sadd.s32 s1, s30  }
0xc8: {  	s0 =	sor.u32 s4, s0;
	s1 =	sshll.u32 s1, $0x11  }
0xc9: {  	s0 =	sor.u32 s1, s0  }
0xca: {  	s0 =	sadd.s32 $0x8F2B, s0  }
0xcb: {  	[sflag:s0] =	ssyncadd.remote.s32 $0x1  }
0xcc: {  	_ =	sfence.sel $0xFFFF  }
0xcd: {  	[dreg:$0x0] =	wrdreg $0xFFFFFFFF;
	(pc) =	sbr.abs _section_cstart, $3  }
0xce: {  	[dreg:$0x1] =	wrdreg $0xFFFFFFFF  }
0xcf: {  	_ =	task.clear_ibuf [dreg:s22], $0x2FFFF;
	_ =	strace $0x9FFFFFFF  }
0xd0: {  	(tm) =	ssettm $0x7FFFFFFF  }
0xd1: {  	_ =	shalt  }
tec
execute0_lowered:
.L_overlay_start_1:
0x0: {  	(tag) =	ssettag $0x1  }
0x1: {  	s0 =	rddreg [dreg:$0x0];
	s1 =	srdreg.scid  }
0x2: {  	s2 =	simm.s32 $0x0;
	s3 =	stileid.u32;
	s18 =	simm.s32 $0x1  }
0x3: {  	s20 =	simm.s32 $0x880;
	s21 =	simm.s32 $0x1080;
	s22 =	simm.s32 $0x1880  }
0x4: {  	s28 =	simm.s32 $0x4080;
	s29 =	simm.s32 $0x4880;
	s30 =	simm.s32 $0x5080  }
0x5: {  	s31 =	simm.s32 $0x5880;
	s10 =	simm.s32 $0x7080;
	s11 =	simm.s32 $0x7880  }
0x6: {  	s12 =	simm.s32 $0x8080;
	s13 =	simm.s32 $0x8880;
	s14 =	simm.s32 $0x9080  }
0x7: {  	s15 =	simm.s32 $0x9880;
	s16 =	simm.s32 $0xA080;
	s17 =	simm.s32 $0xA880  }
0x8: {  	s9 =	simm.s32 $0xB080;
	s1 =	sand.u32 $0x1, s1;
	[smem:$0x7FF] =	sst s2  }
0x9: {  	s3 =	sshll.u32 s3, $0x7;
	s4 =	sshll.u32 s1, $0x6;
	_ =	strace $0x8000004D  }
0xa: {  	s1 =	ssub.s32 $0x2, s1;
	s4 =	sor.u32 s4, s3;
	s3 =	sadd.s32 $0x1DB000, s0  }
0xb: {  	s23 =	sshrl.u32 s1, $0x1;
	s5 =	sshrl.u32 s4, $0x3;
	s4 =	sshll.u32 s4, $0x7  }
0xc: {  	s1 =	ssub.s32 s1, s23;
	s23 =	simm.s32 $0x2080;
	s6 =	sadd.s32 s5, s0  }
0xd: {  	s7 =	sadd.s32 s4, s0;
	s4 =	sadd.s32 $0x1DB100, s0;
	s24 =	sadd.s32 $0x1A800, s6  }
0xe: {  	s5 =	sadd.s32 $0x1DB200, s0;
	s8 =	sadd.s32 $0x9AC00, s7;
	[dreg:$0x2] =	wrdreg s24  }
0xf: {  	s25 =	sadd.s32 $0x1AA00, s6;
	s6 =	sadd.s32 $0x1DB300, s0;
	[dreg:$0x3] =	wrdreg s8  }
0x10: {  	v2 =	vlaneseq.u32;
	s26 =	sadd.s32 $0xDAC00, s7;
	s7 =	smax.u32 s1, $0x1;
	[dreg:$0x4] =	wrdreg s25  }
0x11: {  	vm0 =	vmmov $0xffff;
	v1 =	vshrl.u32 v2, $0x3;
	s0 =	simm.s32 $0x80;
	[dreg:$0x5] =	wrdreg s26;
	s8 =	simm.s32 $0x2  }
0x12: {  	v0 =	vand.u32 $0x7, v2;
	v2 =	vor.u32 $0x8, v2;
	v1 =	vmul.u32 $0x8, v1;
	s24 =	simm.s32 $0x2880;
	s25 =	simm.s32 $0x3080;
	s26 =	simm.s32 $0x3880  }
.LBB2_1:
0x13: {  	s19 =	rddreg [dreg:$0x2]  }
0x14: {  	[tilespmem:s2], [sflag:$0x2] =	stream.linear.gather [hbm4b:s19+s2], $0x40, $0x38;
	[tilespmem:$0x10080] =	vst v63  }
0x15: {  	_ =	swait.ge [sflag:s8], $0x40  }
0x16: {  	[sflag:s8] =	ssyncset.done $0x0  }
0x17: {  	[sflag:s8] =	ssyncadd.s32 $0xFFFFFFC0  }
0x18: {  	v3 =	vld [tilespmem:$0x0];
	_ =	sdelay $0x4  }
0x19: {  	v4 =	vshll.u32 v3, $0x3  }
0x1a: {  	v3 =	vand.u32 $0x7, v3;
	v4 =	vand.u32 $0xFFFFFFC0, v4  }
0x1b: {  	v3 =	vor.u32 v3, v4  }
0x1c: {  	v4 =	vperm.xlane v3, v0;
	_ =	sdelay $0x1  }
0x1d: {  	v4 =	vadd.s32 v1, v4;
	_ =	sdelay $0x4  }
0x1e: {  	[tilespmem:s0], [sflag:$0x1] =	stream.indirect_vreg.gather [hbm4b:s3+s2], $0x80, v4, vm0, $0xb8;
	[tilespmem:$0x10080] =	vst v63  }
0x1f: {  	v3 =	vperm.xlane v3, v2  }
0x20: {  	[tilespmem:s20], [sflag:$0x1] =	stream.indirect_vreg.gather [hbm4b:s4+s2], $0x80, v4, vm0, $0xb8;
	[tilespmem:$0x10080] =	vst v63  }
0x21: {  	v3 =	vadd.s32 v1, v3  }
0x22: {  	[tilespmem:s21], [sflag:$0x1] =	stream.indirect_vreg.gather [hbm4b:s5+s2], $0x80, v4, vm0, $0xb8;
	[tilespmem:$0x10080] =	vst v63  }
0x23: {  	_ = 	snop  }
0x24: {  	[tilespmem:s22], [sflag:$0x1] =	stream.indirect_vreg.gather [hbm4b:s6+s2], $0x80, v4, vm0, $0xb8;
	[tilespmem:$0x10080] =	vst v63  }
0x25: {  	_ = 	snop  }
0x26: {  	[tilespmem:s23], [sflag:$0x1] =	stream.indirect_vreg.gather [hbm4b:s3+s2], $0x80, v3, vm0, $0xb8;
	[tilespmem:$0x10080] =	vst v63  }
0x27: {  	_ = 	snop  }
0x28: {  	[tilespmem:s24], [sflag:$0x1] =	stream.indirect_vreg.gather [hbm4b:s4+s2], $0x80, v3, vm0, $0xb8;
	[tilespmem:$0x10080] =	vst v63  }
0x29: {  	_ = 	snop  }
0x2a: {  	[tilespmem:s25], [sflag:$0x1] =	stream.indirect_vreg.gather [hbm4b:s5+s2], $0x80, v3, vm0, $0xb8;
	[tilespmem:$0x10080] =	vst v63  }
0x2b: {  	_ = 	snop  }
0x2c: {  	[tilespmem:s26], [sflag:$0x1] =	stream.indirect_vreg.gather [hbm4b:s6+s2], $0x80, v3, vm0, $0xb8;
	[tilespmem:$0x10080] =	vst v63  }
0x2d: {  	v3 =	vld [tilespmem:$0x10];
	_ =	sdelay $0x4  }
0x2e: {  	v57 =	vshll.u32 v3, $0x3  }
0x2f: {  	v3 =	vand.u32 $0x7, v3;
	v4 =	vand.u32 $0xFFFFFFC0, v57  }
0x30: {  	v3 =	vor.u32 v3, v4  }
0x31: {  	v4 =	vperm.xlane v3, v0;
	_ =	sdelay $0x1  }
0x32: {  	v4 =	vadd.s32 v1, v4;
	_ =	sdelay $0x4  }
0x33: {  	[tilespmem:s28], [sflag:$0x1] =	stream.indirect_vreg.gather [hbm4b:s3+s2], $0x80, v4, vm0, $0xb8;
	[tilespmem:$0x10080] =	vst v63  }
0x34: {  	v3 =	vperm.xlane v3, v2  }
0x35: {  	[tilespmem:s29], [sflag:$0x1] =	stream.indirect_vreg.gather [hbm4b:s4+s2], $0x80, v4, vm0, $0xb8;
	[tilespmem:$0x10080] =	vst v63  }
0x36: {  	v3 =	vadd.s32 v1, v3  }
0x37: {  	[tilespmem:s30], [sflag:$0x1] =	stream.indirect_vreg.gather [hbm4b:s5+s2], $0x80, v4, vm0, $0xb8;
	[tilespmem:$0x10080] =	vst v63  }
0x38: {  	_ = 	snop  }
0x39: {  	[tilespmem:s31], [sflag:$0x1] =	stream.indirect_vreg.gather [hbm4b:s6+s2], $0x80, v4, vm0, $0xb8;
	[tilespmem:$0x10080] =	vst v63  }
0x3a: {  	s1 =	simm.s32 $0x6080  }
0x3b: {  	[tilespmem:s1], [sflag:$0x1] =	stream.indirect_vreg.gather [hbm4b:s3+s2], $0x80, v3, vm0, $0xb8;
	[tilespmem:$0x10080] =	vst v63  }
0x3c: {  	s1 =	simm.s32 $0x6880  }
0x3d: {  	[tilespmem:s1], [sflag:$0x1] =	stream.indirect_vreg.gather [hbm4b:s4+s2], $0x80, v3, vm0, $0xb8;
	[tilespmem:$0x10080] =	vst v63  }
0x3e: {  	_ = 	snop  }
0x3f: {  	[tilespmem:s10], [sflag:$0x1] =	stream.indirect_vreg.gather [hbm4b:s5+s2], $0x80, v3, vm0, $0xb8;
	[tilespmem:$0x10080] =	vst v63  }
0x40: {  	_ = 	snop  }
0x41: {  	[tilespmem:s11], [sflag:$0x1] =	stream.indirect_vreg.gather [hbm4b:s6+s2], $0x80, v3, vm0, $0xb8;
	[tilespmem:$0x10080] =	vst v63  }
0x42: {  	v3 =	vld [tilespmem:$0x20];
	_ =	sdelay $0x4  }
0x43: {  	v58 =	vshll.u32 v3, $0x3  }
0x44: {  	v3 =	vand.u32 $0x7, v3;
	v4 =	vand.u32 $0xFFFFFFC0, v58  }
0x45: {  	v3 =	vor.u32 v3, v4  }
0x46: {  	v4 =	vperm.xlane v3, v0;
	_ =	sdelay $0x1  }
0x47: {  	v4 =	vadd.s32 v1, v4;
	_ =	sdelay $0x4  }
0x48: {  	[tilespmem:s12], [sflag:$0x1] =	stream.indirect_vreg.gather [hbm4b:s3+s2], $0x80, v4, vm0, $0xb8;
	[tilespmem:$0x10080] =	vst v63  }
0x49: {  	v3 =	vperm.xlane v3, v2  }
0x4a: {  	[tilespmem:s13], [sflag:$0x1] =	stream.indirect_vreg.gather [hbm4b:s4+s2], $0x80, v4, vm0, $0xb8;
	[tilespmem:$0x10080] =	vst v63  }
0x4b: {  	v3 =	vadd.s32 v1, v3  }
0x4c: {  	[tilespmem:s14], [sflag:$0x1] =	stream.indirect_vreg.gather [hbm4b:s5+s2], $0x80, v4, vm0, $0xb8;
	[tilespmem:$0x10080] =	vst v63  }
0x4d: {  	_ = 	snop  }
0x4e: {  	[tilespmem:s15], [sflag:$0x1] =	stream.indirect_vreg.gather [hbm4b:s6+s2], $0x80, v4, vm0, $0xb8;
	[tilespmem:$0x10080] =	vst v63  }
0x4f: {  	_ = 	snop  }
0x50: {  	[tilespmem:s16], [sflag:$0x1] =	stream.indirect_vreg.gather [hbm4b:s3+s2], $0x80, v3, vm0, $0xb8;
	[tilespmem:$0x10080] =	vst v63  }
0x51: {  	_ = 	snop  }
0x52: {  	[tilespmem:s17], [sflag:$0x1] =	stream.indirect_vreg.gather [hbm4b:s4+s2], $0x80, v3, vm0, $0xb8;
	[tilespmem:$0x10080] =	vst v63  }
0x53: {  	_ = 	snop  }
0x54: {  	[tilespmem:s9], [sflag:$0x1] =	stream.indirect_vreg.gather [hbm4b:s5+s2], $0x80, v3, vm0, $0xb8;
	[tilespmem:$0x10080] =	vst v63  }
0x55: {  	s19 =	simm.s32 $0xB880  }
0x56: {  	[tilespmem:s19], [sflag:$0x1] =	stream.indirect_vreg.gather [hbm4b:s6+s2], $0x80, v3, vm0, $0xb8;
	[tilespmem:$0x10080] =	vst v63  }
0x57: {  	v3 =	vld [tilespmem:$0x30];
	_ =	sdelay $0x4  }
0x58: {  	v59 =	vshll.u32 v3, $0x3  }
0x59: {  	v3 =	vand.u32 $0x7, v3;
	v4 =	vand.u32 $0xFFFFFFC0, v59  }
0x5a: {  	v3 =	vor.u32 v3, v4  }
0x5b: {  	v4 =	vperm.xlane v3, v0;
	_ =	sdelay $0x1  }
0x5c: {  	v4 =	vadd.s32 v1, v4;
	_ =	sdelay $0x3  }
0x5d: {  	s19 =	simm.s32 $0xC080  }
0x5e: {  	[tilespmem:s19], [sflag:$0x1] =	stream.indirect_vreg.gather [hbm4b:s3+s2], $0x80, v4, vm0, $0xb8;
	[tilespmem:$0x10080] =	vst v63  }
0x5f: {  	v3 =	vperm.xlane v3, v2;
	s19 =	simm.s32 $0xC880  }
0x60: {  	[tilespmem:s19], [sflag:$0x1] =	stream.indirect_vreg.gather [hbm4b:s4+s2], $0x80, v4, vm0, $0xb8;
	[tilespmem:$0x10080] =	vst v63  }
0x61: {  	v3 =	vadd.s32 v1, v3;
	s19 =	simm.s32 $0xD080  }
0x62: {  	[tilespmem:s19], [sflag:$0x1] =	stream.indirect_vreg.gather [hbm4b:s5+s2], $0x80, v4, vm0, $0xb8;
	[tilespmem:$0x10080] =	vst v63  }
0x63: {  	s19 =	simm.s32 $0xD880  }
0x64: {  	[tilespmem:s19], [sflag:$0x1] =	stream.indirect_vreg.gather [hbm4b:s6+s2], $0x80, v4, vm0, $0xb8;
	[tilespmem:$0x10080] =	vst v63  }
0x65: {  	s19 =	simm.s32 $0xE080  }
0x66: {  	[tilespmem:s19], [sflag:$0x1] =	stream.indirect_vreg.gather [hbm4b:s3+s2], $0x80, v3, vm0, $0xb8;
	[tilespmem:$0x10080] =	vst v63  }
0x67: {  	s19 =	simm.s32 $0xE880  }
0x68: {  	[tilespmem:s19], [sflag:$0x1] =	stream.indirect_vreg.gather [hbm4b:s4+s2], $0x80, v3, vm0, $0xb8;
	[tilespmem:$0x10080] =	vst v63  }
0x69: {  	s19 =	simm.s32 $0xF080  }
0x6a: {  	[tilespmem:s19], [sflag:$0x1] =	stream.indirect_vreg.gather [hbm4b:s5+s2], $0x80, v3, vm0, $0xb8;
	[tilespmem:$0x10080] =	vst v63  }
0x6b: {  	s19 =	simm.s32 $0xF880  }
0x6c: {  	[tilespmem:s19], [sflag:$0x1] =	stream.indirect_vreg.gather [hbm4b:s6+s2], $0x80, v3, vm0, $0xb8;
	[tilespmem:$0x10080] =	vst v63  }
0x6d: {  	_ =	swait.ge [sflag:s18], $0x10000  }
0x6e: {  	[sflag:s18] =	ssyncset.done $0x0  }
0x6f: {  	s19 =	rddreg [dreg:$0x3];
	[sflag:s18] =	ssyncadd.s32 $0xFFFF0000  }
0x70: {  	[hbm4b:s19+s2] =	stream.linear.scatter [tilespmem:s0], [sflag:$0x2], $0x10000, $0x38;
	[tilespmem:$0x10080] =	vst v63  }
0x71: {  	_ =	swait.ge [sflag:s8], $0x10000  }
0x72: {  	[sflag:s8] =	ssyncset.done $0x0  }
0x73: {  	s19 =	rddreg [dreg:$0x4];
	[sflag:s8] =	ssyncadd.s32 $0xFFFF0000  }
0x74: {  	[tilespmem:s2], [sflag:$0x2] =	stream.linear.gather [hbm4b:s19+s2], $0x40, $0x38;
	[tilespmem:$0x10080] =	vst v63  }
0x75: {  	_ =	swait.ge [sflag:s8], $0x40  }
0x76: {  	[sflag:s8] =	ssyncset.done $0x0  }
0x77: {  	[sflag:s8] =	ssyncadd.s32 $0xFFFFFFC0  }
0x78: {  	v3 =	vld [tilespmem:$0x0];
	_ =	sdelay $0x4  }
0x79: {  	v60 =	vshll.u32 v3, $0x3  }
0x7a: {  	v3 =	vand.u32 $0x7, v3;
	v4 =	vand.u32 $0xFFFFFFC0, v60  }
0x7b: {  	v3 =	vor.u32 v3, v4  }
0x7c: {  	v4 =	vperm.xlane v3, v0;
	_ =	sdelay $0x1  }
0x7d: {  	v4 =	vadd.s32 v1, v4;
	_ =	sdelay $0x4  }
0x7e: {  	[tilespmem:s0], [sflag:$0x1] =	stream.indirect_vreg.gather [hbm4b:s3+s2], $0x80, v4, vm0, $0xb8;
	[tilespmem:$0x10080] =	vst v63  }
0x7f: {  	v3 =	vperm.xlane v3, v2  }
0x80: {  	[tilespmem:s20], [sflag:$0x1] =	stream.indirect_vreg.gather [hbm4b:s4+s2], $0x80, v4, vm0, $0xb8;
	[tilespmem:$0x10080] =	vst v63  }
0x81: {  	v3 =	vadd.s32 v1, v3  }
0x82: {  	[tilespmem:s21], [sflag:$0x1] =	stream.indirect_vreg.gather [hbm4b:s5+s2], $0x80, v4, vm0, $0xb8;
	[tilespmem:$0x10080] =	vst v63  }
0x83: {  	_ = 	snop  }
0x84: {  	[tilespmem:s22], [sflag:$0x1] =	stream.indirect_vreg.gather [hbm4b:s6+s2], $0x80, v4, vm0, $0xb8;
	[tilespmem:$0x10080] =	vst v63  }
0x85: {  	_ = 	snop  }
0x86: {  	[tilespmem:s23], [sflag:$0x1] =	stream.indirect_vreg.gather [hbm4b:s3+s2], $0x80, v3, vm0, $0xb8;
	[tilespmem:$0x10080] =	vst v63  }
0x87: {  	_ = 	snop  }
0x88: {  	[tilespmem:s24], [sflag:$0x1] =	stream.indirect_vreg.gather [hbm4b:s4+s2], $0x80, v3, vm0, $0xb8;
	[tilespmem:$0x10080] =	vst v63  }
0x89: {  	_ = 	snop  }
0x8a: {  	[tilespmem:s25], [sflag:$0x1] =	stream.indirect_vreg.gather [hbm4b:s5+s2], $0x80, v3, vm0, $0xb8;
	[tilespmem:$0x10080] =	vst v63  }
0x8b: {  	_ = 	snop  }
0x8c: {  	[tilespmem:s26], [sflag:$0x1] =	stream.indirect_vreg.gather [hbm4b:s6+s2], $0x80, v3, vm0, $0xb8;
	[tilespmem:$0x10080] =	vst v63  }
0x8d: {  	v3 =	vld [tilespmem:$0x10];
	_ =	sdelay $0x4  }
0x8e: {  	v61 =	vshll.u32 v3, $0x3  }
0x8f: {  	v3 =	vand.u32 $0x7, v3;
	v4 =	vand.u32 $0xFFFFFFC0, v61  }
0x90: {  	v3 =	vor.u32 v3, v4  }
0x91: {  	v4 =	vperm.xlane v3, v0;
	_ =	sdelay $0x1  }
0x92: {  	v4 =	vadd.s32 v1, v4;
	_ =	sdelay $0x4  }
0x93: {  	[tilespmem:s28], [sflag:$0x1] =	stream.indirect_vreg.gather [hbm4b:s3+s2], $0x80, v4, vm0, $0xb8;
	[tilespmem:$0x10080] =	vst v63  }
0x94: {  	v3 =	vperm.xlane v3, v2  }
0x95: {  	[tilespmem:s29], [sflag:$0x1] =	stream.indirect_vreg.gather [hbm4b:s4+s2], $0x80, v4, vm0, $0xb8;
	[tilespmem:$0x10080] =	vst v63  }
0x96: {  	v3 =	vadd.s32 v1, v3  }
0x97: {  	[tilespmem:s30], [sflag:$0x1] =	stream.indirect_vreg.gather [hbm4b:s5+s2], $0x80, v4, vm0, $0xb8;
	[tilespmem:$0x10080] =	vst v63  }
0x98: {  	_ = 	snop  }
0x99: {  	[tilespmem:s31], [sflag:$0x1] =	stream.indirect_vreg.gather [hbm4b:s6+s2], $0x80, v4, vm0, $0xb8;
	[tilespmem:$0x10080] =	vst v63  }
0x9a: {  	s19 =	simm.s32 $0x6080  }
0x9b: {  	[tilespmem:s19], [sflag:$0x1] =	stream.indirect_vreg.gather [hbm4b:s3+s2], $0x80, v3, vm0, $0xb8;
	[tilespmem:$0x10080] =	vst v63  }
0x9c: {  	_ = 	snop  }
0x9d: {  	[tilespmem:s1], [sflag:$0x1] =	stream.indirect_vreg.gather [hbm4b:s4+s2], $0x80, v3, vm0, $0xb8;
	[tilespmem:$0x10080] =	vst v63  }
0x9e: {  	_ = 	snop  }
0x9f: {  	[tilespmem:s10], [sflag:$0x1] =	stream.indirect_vreg.gather [hbm4b:s5+s2], $0x80, v3, vm0, $0xb8;
	[tilespmem:$0x10080] =	vst v63  }
0xa0: {  	_ = 	snop  }
0xa1: {  	[tilespmem:s11], [sflag:$0x1] =	stream.indirect_vreg.gather [hbm4b:s6+s2], $0x80, v3, vm0, $0xb8;
	[tilespmem:$0x10080] =	vst v63  }
0xa2: {  	v3 =	vld [tilespmem:$0x20];
	_ =	sdelay $0x4  }
0xa3: {  	v62 =	vshll.u32 v3, $0x3  }
0xa4: {  	v3 =	vand.u32 $0x7, v3;
	v4 =	vand.u32 $0xFFFFFFC0, v62  }
0xa5: {  	v3 =	vor.u32 v3, v4  }
0xa6: {  	v4 =	vperm.xlane v3, v0;
	_ =	sdelay $0x1  }
0xa7: {  	v4 =	vadd.s32 v1, v4;
	_ =	sdelay $0x4  }
0xa8: {  	[tilespmem:s12], [sflag:$0x1] =	stream.indirect_vreg.gather [hbm4b:s3+s2], $0x80, v4, vm0, $0xb8;
	[tilespmem:$0x10080] =	vst v63  }
0xa9: {  	v3 =	vperm.xlane v3, v2  }
0xaa: {  	[tilespmem:s13], [sflag:$0x1] =	stream.indirect_vreg.gather [hbm4b:s4+s2], $0x80, v4, vm0, $0xb8;
	[tilespmem:$0x10080] =	vst v63  }
0xab: {  	v3 =	vadd.s32 v1, v3  }
0xac: {  	[tilespmem:s14], [sflag:$0x1] =	stream.indirect_vreg.gather [hbm4b:s5+s2], $0x80, v4, vm0, $0xb8;
	[tilespmem:$0x10080] =	vst v63  }
0xad: {  	_ = 	snop  }
0xae: {  	[tilespmem:s15], [sflag:$0x1] =	stream.indirect_vreg.gather [hbm4b:s6+s2], $0x80, v4, vm0, $0xb8;
	[tilespmem:$0x10080] =	vst v63  }
0xaf: {  	_ = 	snop  }
0xb0: {  	[tilespmem:s16], [sflag:$0x1] =	stream.indirect_vreg.gather [hbm4b:s3+s2], $0x80, v3, vm0, $0xb8;
	[tilespmem:$0x10080] =	vst v63  }
0xb1: {  	_ = 	snop  }
0xb2: {  	[tilespmem:s17], [sflag:$0x1] =	stream.indirect_vreg.gather [hbm4b:s4+s2], $0x80, v3, vm0, $0xb8;
	[tilespmem:$0x10080] =	vst v63  }
0xb3: {  	_ = 	snop  }
0xb4: {  	[tilespmem:s9], [sflag:$0x1] =	stream.indirect_vreg.gather [hbm4b:s5+s2], $0x80, v3, vm0, $0xb8;
	[tilespmem:$0x10080] =	vst v63  }
0xb5: {  	s19 =	simm.s32 $0xB880  }
0xb6: {  	[tilespmem:s19], [sflag:$0x1] =	stream.indirect_vreg.gather [hbm4b:s6+s2], $0x80, v3, vm0, $0xb8;
	[tilespmem:$0x10080] =	vst v63  }
0xb7: {  	v3 =	vld [tilespmem:$0x30];
	_ =	sdelay $0x4  }
0xb8: {  	v63 =	vshll.u32 v3, $0x3  }
0xb9: {  	v3 =	vand.u32 $0x7, v3;
	v4 =	vand.u32 $0xFFFFFFC0, v63  }
0xba: {  	v3 =	vor.u32 v3, v4  }
0xbb: {  	v4 =	vperm.xlane v3, v0;
	_ =	sdelay $0x1  }
0xbc: {  	v4 =	vadd.s32 v1, v4;
	_ =	sdelay $0x3  }
0xbd: {  	s19 =	simm.s32 $0xC080  }
0xbe: {  	[tilespmem:s19], [sflag:$0x1] =	stream.indirect_vreg.gather [hbm4b:s3+s2], $0x80, v4, vm0, $0xb8;
	[tilespmem:$0x10080] =	vst v63  }
0xbf: {  	v3 =	vperm.xlane v3, v2;
	s19 =	simm.s32 $0xC880  }
0xc0: {  	[tilespmem:s19], [sflag:$0x1] =	stream.indirect_vreg.gather [hbm4b:s4+s2], $0x80, v4, vm0, $0xb8;
	[tilespmem:$0x10080] =	vst v63  }
0xc1: {  	v3 =	vadd.s32 v1, v3;
	s19 =	simm.s32 $0xD080  }
0xc2: {  	[tilespmem:s19], [sflag:$0x1] =	stream.indirect_vreg.gather [hbm4b:s5+s2], $0x80, v4, vm0, $0xb8;
	[tilespmem:$0x10080] =	vst v63  }
0xc3: {  	s19 =	simm.s32 $0xD880  }
0xc4: {  	[tilespmem:s19], [sflag:$0x1] =	stream.indirect_vreg.gather [hbm4b:s6+s2], $0x80, v4, vm0, $0xb8;
	[tilespmem:$0x10080] =	vst v63  }
0xc5: {  	s19 =	simm.s32 $0xE080  }
0xc6: {  	[tilespmem:s19], [sflag:$0x1] =	stream.indirect_vreg.gather [hbm4b:s3+s2], $0x80, v3, vm0, $0xb8;
	[tilespmem:$0x10080] =	vst v63  }
0xc7: {  	s19 =	simm.s32 $0xE880  }
0xc8: {  	[tilespmem:s19], [sflag:$0x1] =	stream.indirect_vreg.gather [hbm4b:s4+s2], $0x80, v3, vm0, $0xb8;
	[tilespmem:$0x10080] =	vst v63  }
0xc9: {  	s19 =	simm.s32 $0xF080  }
0xca: {  	[tilespmem:s19], [sflag:$0x1] =	stream.indirect_vreg.gather [hbm4b:s5+s2], $0x80, v3, vm0, $0xb8;
	[tilespmem:$0x10080] =	vst v63  }
0xcb: {  	s19 =	simm.s32 $0xF880  }
0xcc: {  	[tilespmem:s19], [sflag:$0x1] =	stream.indirect_vreg.gather [hbm4b:s6+s2], $0x80, v3, vm0, $0xb8;
	[tilespmem:$0x10080] =	vst v63  }
0xcd: {  	_ =	swait.ge [sflag:s18], $0x10000  }
0xce: {  	p0 =	sne.s32 s7, $0x1;
	[sflag:s18] =	ssyncset.done $0x0  }
.Ltmp0:
0xcf: {  	s1 =	rddreg [dreg:$0x5];
	[sflag:s18] =	ssyncadd.s32 $0xFFFF0000;
	(pc) =	sbr.rel @p0 .LBB2_1-.Ltmp0, $4  }
0xd0: {  	[hbm4b:s1+s2] =	stream.linear.scatter [tilespmem:s0], [sflag:$0x2], $0x10000, $0x38;
	[tilespmem:$0x10080] =	vst v63  }
0xd1: {  	_ =	swait.ge [sflag:s8], $0x10000  }
0xd2: {  	[sflag:s8] =	ssyncset.done $0x0  }
0xd3: {  	s7 =	sadd.s32 $0xFFFFFFFF, s7;
	[sflag:s8] =	ssyncadd.s32 $0xFFFF0000  }
0xd4: {  	_ =	sfence.sel $0x180000  }
0xd5: {  	[bflag:$0x0] =	sbarrier.arrive $0xFFFF  }
0xd6: {  	_ =	strace $0x9000004D  }
0xd7: {  	s0 =	stileid.u32;
	[bflag:$0x2] =	sbarrier.arrive $0xFFFF  }
0xd8: {  	p0 =	sne.s32 s0, $0x0;
	s0 =	rddreg [dreg:$0x1]  }
0xd9: {  	s0 =	sadd.s32 @!p0 $0x100000, s0  }
0xda: {  	[sflag:s0] =	ssyncadd.tile.s32 @!p0 $0x1;
	_ =	shalt  }
.Lfunc_end2:
_tile_overlayer_lowered:
.L_overlay_start_2:
0xdb: {  	(tag) =	ssettag $0x2  }
0xdc: {  	s0 =	rddreg [dreg:$0x0];
	s2 =	stileid.u32  }
0xdd: {  	s1 =	rddreg [dreg:$0x1];
	p0 =	sne.s32 s2, $0x0  }
0xde: {  	s3 =	rddreg [dreg:$0x2];
	[bflag:$0x3] =	sbarrier.arrive $0xFFFF;
	s2 =	simm.s32 @!p0 $0x1C02  }
0xdf: {  	[timem:s3], [sflag:s2] =	dma.local @!p0 [hbm:s0], s1  }
0xe0: {  	s0 =	simm.s32 @!p0 $0x2  }
0xe1: {  	_ =	swait.ge @!p0 [sflag:s0], s1  }
0xe2: {  	s1 =	ssub.s32 @!p0 $0x0, s1;
	[sflag:s0] =	ssyncset.done @!p0 $0x0  }
0xe3: {  	[sflag:s0] =	ssyncadd.s32 @!p0 s1  }
0xe4: {  	[bflag:$0x3] =	sbarrier.arrive $0xFFFF  }
0xe5: {  	_ =	shalt  }

// kernel: kernel.18.cloned.1.call-start
scs
__scs_entry_jumppad:
0x0: {  	(pc) =	sbr.rel $0x88, $3  }
0x1: {  	(tag) =	ssettag $0x0;
	lr =	simm.s32 $0x1  }
0x2: {  	[smem:$0x3F9E] =	sst lr;
	_ =	strace $0xD0000000  }
0x3: {  	_ = 	snop  }
0x4: {  	_ = 	snop  }
0x5: {  	_ = 	snop  }
0x6: {  	_ = 	snop  }
0x7: {  	_ = 	snop  }
__scs_overlays_trampoline_lowered:
0x8: {  	[smem:$0x3FAD] =	sst s0  }
0x9: {  	[smem:$0x3FAE] =	sst s1  }
0xa: {  	[smem:$0x3FAF] =	sst s2  }
0xb: {  	[smem:$0x3FB0] =	sst s3  }
0xc: {  	[smem:$0x3FB1] =	sst s4  }
0xd: {  	[smem:$0x3FB2] =	sst s5  }
0xe: {  	[smem:$0x3FB3] =	sst s6  }
0xf: {  	[smem:$0x3FB4] =	sst s7  }
0x10: {  	[smem:$0x3FB5] =	sst s8  }
0x11: {  	[smem:$0x3FB6] =	sst s9;
	s0 =	simm.s32 @!p0 $0x0  }
0x12: {  	s1 =	sld [smem:$0x3F9C];
	s0 =	simm.s32 @p0 $0x1  }
0x13: {  	[smem:$0x3FB7] =	sst s0;
	s0 =	simm.s32 @!p1 $0x0  }
0x14: {  	s2 =	sld [smem:$0x3F9B];
	s0 =	simm.s32 @p1 $0x1  }
0x15: {  	[smem:$0x3FB8] =	sst s0;
	s0 =	simm.s32 @!p2 $0x0  }
0x16: {  	s3 =	sld [smem:$0x3FDB];
	s0 =	simm.s32 @p2 $0x1  }
0x17: {  	s4 =	simm.s32 $0x1BF5;
	[smem:$0x3FBA] =	sst s0  }
0x18: {  	s0 =	sld [smem:$0x3F9D];
	_ =	swait.ge [sflag:s4], $0x0  }
0x19: {  	s7 =	sld [smem:$0x3F9E]  }
0x1a: {  	s8 =	sadd.s32 $0xFFFFE003, lr  }
0x1b: {  	s9 =	sadd.s32 $0xFFFFFEF7, lr;
	s5 =	simm.s32 $0xFFFFFFFF;
	p2 =	slt.u32 s8, $0xFFFFF086  }
0x1c: {  	p1 =	slt.u32 s9, $0xF7A;
	s5 =	simm.s32 @!p2 $0x0  }
0x1d: {  	s5 =	simm.s32 @p1 $0x1;
	p0 =	seq.s32 s7, s2  }
0x1e: {  	s7 =	smul.u32 @!p0 $0xF7A, s2;
	p2 =	seq.s32 @!p0 s5, $0x0  }
0x1f: {  	s9 =	smul.u32 $0xF7A, s1;
	s8 =	simm.s32 @!p0 $0x1BF5;
	p2 =	por !p2, p0  }
0x20: {  	[sflag:s8] =	ssyncset.s32 @!p0 $0xFFFFF086;
	s6 =	sadd.s32 @!p0 s3, s7;
	s7 =	simm.s32 @!p0 $0x108  }
0x21: {  	s3 =	sadd.s32 s3, s9;
	s6 =	sadd.s32 @!p0 $0x88, s6;
	s7 =	simm.s32 @p2 $0x1082  }
0x22: {  	[simem:s7], [sflag:s8] =	dma.local @!p0 [hbm:s6], $0xF7A  }
0x23: {  	s9 =	sor.u32 $0xD0000000, s2;
	s6 =	simm.s32 $0x108;
	_ =	swait.ge @!p0 [sflag:s8], $0x0  }
0x24: {  	s3 =	sadd.s32 $0x88, s3;
	s6 =	simm.s32 @!p1 $0x1082;
	[sflag:s4] =	ssyncset.s32 $0xFFFFF086  }
0x25: {  	[simem:s6], [sflag:s4] =	dma.local [hbm:s3], $0xF7A  }
0x26: {  	[smem:$0x3F9E] =	sst s1;
	(tag) =	ssettag s2;
	_ =	strace s9  }
0x27: {  	s1 =	sld [smem:$0x3FAE]  }
0x28: {  	s2 =	sld [smem:$0x3FAF]  }
0x29: {  	s4 =	sld [smem:$0x3FB1]  }
0x2a: {  	p0 =	seq.s32 s5, $0x0;
	s5 =	sld [smem:$0x3FB2]  }
0x2b: {  	s6 =	sld [smem:$0x3FB3]  }
0x2c: {  	s7 =	sld [smem:$0x3FB4]  }
0x2d: {  	s3 =	simm.s32 $0x108;
	s8 =	sld [smem:$0x3FB5]  }
0x2e: {  	s3 =	simm.s32 @!p0 $0x1082;
	s9 =	sld [smem:$0x3FB6]  }
0x2f: {  	lr =	sadd.s32 s0, s3;
	s0 =	sld [smem:$0x3FAD]  }
0x30: {  	s3 =	sld [smem:$0x3FB0]  }
0x31: {  	[smem:$0x3FB9] =	sst s10  }
0x32: {  	s10 =	sld [smem:$0x3FB7];
	_ =	sdelay $0x3  }
0x33: {  	p0 =	seq.s32 s10, $0x1;
	s10 =	sld [smem:$0x3FB9];
	_ =	sdelay $0x3  }
0x34: {  	[smem:$0x3FB9] =	sst s10  }
0x35: {  	s10 =	sld [smem:$0x3FB8];
	_ =	sdelay $0x3  }
0x36: {  	p1 =	seq.s32 s10, $0x1;
	s10 =	sld [smem:$0x3FB9];
	_ =	sdelay $0x3  }
0x37: {  	[smem:$0x3FB9] =	sst s10  }
0x38: {  	s10 =	sld [smem:$0x3FBA]  }
0x39: {  	_ = 	snop;
	(pc) =	sbr.ind lr, $3  }
0x3a: {  	_ = 	snop  }
0x3b: {  	_ = 	snop  }
0x3c: {  	p2 =	seq.s32 s10, $0x1;
	s10 =	sld [smem:$0x3FB9]  }
0x3d: {  	_ =	shalt  }
0x3e: {  	_ =	shalt  }
0x3f: {  	_ =	shalt  }
0x40: {  	_ =	shalt  }
0x41: {  	_ =	shalt  }
0x42: {  	_ =	shalt  }
0x43: {  	_ =	shalt  }
0x44: {  	_ =	shalt  }
0x45: {  	_ =	shalt  }
0x46: {  	_ =	shalt  }
0x47: {  	_ =	shalt  }
0x48: {  	_ =	shalt  }
0x49: {  	_ =	shalt  }
0x4a: {  	_ =	shalt  }
0x4b: {  	_ =	shalt  }
0x4c: {  	_ =	shalt  }
0x4d: {  	_ =	shalt  }
0x4e: {  	_ =	shalt  }
0x4f: {  	_ =	shalt  }
0x50: {  	_ =	shalt  }
0x51: {  	_ =	shalt  }
0x52: {  	_ =	shalt  }
0x53: {  	_ =	shalt  }
0x54: {  	_ =	shalt  }
0x55: {  	_ =	shalt  }
0x56: {  	_ =	shalt  }
0x57: {  	_ =	shalt  }
0x58: {  	_ =	shalt  }
0x59: {  	_ =	shalt  }
0x5a: {  	_ =	shalt  }
0x5b: {  	_ =	shalt  }
0x5c: {  	_ =	shalt  }
0x5d: {  	_ =	shalt  }
0x5e: {  	_ =	shalt  }
0x5f: {  	_ =	shalt  }
0x60: {  	_ =	shalt  }
0x61: {  	_ =	shalt  }
0x62: {  	_ =	shalt  }
0x63: {  	_ =	shalt  }
0x64: {  	_ =	shalt  }
0x65: {  	_ =	shalt  }
0x66: {  	_ =	shalt  }
0x67: {  	_ =	shalt  }
0x68: {  	_ =	shalt  }
0x69: {  	_ =	shalt  }
0x6a: {  	_ =	shalt  }
0x6b: {  	_ =	shalt  }
0x6c: {  	_ =	shalt  }
0x6d: {  	_ =	shalt  }
0x6e: {  	_ =	shalt  }
0x6f: {  	_ =	shalt  }
0x70: {  	_ =	shalt  }
0x71: {  	_ =	shalt  }
0x72: {  	_ =	shalt  }
0x73: {  	_ =	shalt  }
0x74: {  	_ =	shalt  }
0x75: {  	_ =	shalt  }
0x76: {  	_ =	shalt  }
0x77: {  	_ =	shalt  }
0x78: {  	_ =	shalt  }
0x79: {  	_ =	shalt  }
0x7a: {  	_ =	shalt  }
0x7b: {  	_ =	shalt  }
0x7c: {  	_ =	shalt  }
0x7d: {  	_ =	shalt  }
0x7e: {  	_ =	shalt  }
0x7f: {  	_ =	shalt  }
0x80: {  	_ =	shalt  }
0x81: {  	_ =	shalt  }
0x82: {  	_ =	shalt  }
0x83: {  	_ =	shalt  }
0x84: {  	_ =	shalt  }
0x85: {  	_ =	shalt  }
0x86: {  	_ =	shalt  }
0x87: {  	_ =	shalt  }
.Lfunc_end0:
.L_simem_size_0:
called_computation.2_lowered:
.L_overlay_start_0:
0x88: {  	s2 =	sld [smem:$0x3FD9]  }
0x89: {  	s3 =	sld [smem:$0x3FFE];
	_ =	sdelay $0x1  }
0x8a: {  	s1 =	srdreg.scid  }
0x8b: {  	s0 =	sand.u32 $0x1, s1  }
0x8c: {  	s17 =	sshll.u32 s0, $0xA;
	s2 =	sadd.s32 s3, s2  }
0x8d: {  	s2 =	sadd.s32 s2, s17  }
0x8e: {  	[smem:$0x3FC5] =	sst s2  }
0x8f: {  	_ = 	snop  }
0x90: {  	(tm) =	ssettm $0x1  }
0x91: {  	s18 =	sld [smem:$0x3FFB];
	_ =	sdelay $0x3  }
0x92: {  	_ =	strace s18  }
0x93: {  	s2 =	sld [smem:$0x3FFC];
	_ =	sdelay $0x3  }
0x94: {  	_ =	strace s2  }
0x95: {  	s2 =	sld [smem:$0x3FFD];
	_ =	sdelay $0x3  }
0x96: {  	_ =	strace s2  }
0x97: {  	_ =	strace $0x8FFFFFFF  }
0x98: {  	s19 =	sld [smem:$0x3FDB];
	_ =	sdelay $0x1  }
0x99: {  	s20 =	simm.s32 $_scs_section_size  }
0x9a: {  	s4 =	simm.s32 $_size__tile_overlayer_lowered;
	s5 =	simm.s32 $_tile_overlayer_lowered  }
0x9b: {  	s6 =	simm.s32 $0x1BFF;
	s21 =	sshll.u32 s5, $0x1;
	s3 =	sadd.s32 s20, s19  }
0x9c: {  	s22 =	simm.s32 $0x0;
	s4 =	sshll.u32 s4, $0x1;
	s5 =	sadd.s32 s21, s3  }
0x9d: {  	[timem:s22], [sflag:s6] =	dma.local [hbm:s5], s4  }
0x9e: {  	_ =	swait.ge [sflag:s6], s4  }
0x9f: {  	s4 =	ssub.s32 $0x0, s4;
	[sflag:s6] =	ssyncset.done $0x0  }
0xa0: {  	[sflag:s6] =	ssyncadd.s32 s4;
	_ =	sdelay $0x1  }
0xa1: {  	s23 =	simm.s32 $0x1B8B  }
0xa2: {  	_ =	swait.ge [sflag:s23], $0x1  }
0xa3: {  	[sflag:s23] =	ssyncset.done $0x0  }
0xa4: {  	[sflag:s23] =	ssyncadd.s32 $0xFFFFFFFF  }
0xa5: {  	s4 =	sld [smem:$0x0]  }
0xa6: {  	s5 =	sand.u32 $0xFFFFFFFE, s1  }
0xa7: {  	p0 =	sne.s32 s1, s5  }
0xa8: {  	s5 =	sshll.u32 @p0 s5, $0xE  }
0xa9: {  	s5 =	sadd.s32 @p0 $0x11B8D, s5;
	s6 =	sshll.u32 @p0 s4, $0x11  }
0xaa: {  	s5 =	sor.u32 @p0 s6, s5  }
0xab: {  	[sflag:s5] =	ssyncadd.remote.s32 @p0 $0x1;
	_ =	sdelay $0x1  }
0xac: {  	s5 =	simm.s32 @p0 $0x1B8D  }
0xad: {  	_ =	swait.eq @p0 [sflag:s5], $0x1  }
0xae: {  	[sflag:s5] =	ssyncadd.s32 @p0 $0xFFFFFFFF  }
0xaf: {  	s6 =	sshll.u32 @!p0 s1, $0xE  }
0xb0: {  	s6 =	sor.u32 @!p0 $0x4000, s6;
	s5 =	simm.s32 @!p0 $0x1B8D  }
0xb1: {  	s4 =	sshll.u32 @!p0 s4, $0x11;
	s6 =	sadd.s32 @!p0 $0x11B8D, s6;
	_ =	swait.eq @!p0 [sflag:s5], $0x1  }
0xb2: {  	s4 =	sor.u32 @!p0 s4, s6;
	[sflag:s5] =	ssyncadd.s32 @!p0 $0xFFFFFFFF  }
0xb3: {  	s25 =	simm.s32 $0x1B8E;
	s24 =	sld [smem:$0x3FFE];
	[sflag:s4] =	ssyncadd.remote.s32 @!p0 $0x1  }
0xb4: {  	s26 =	simm.s32 $execute0_lowered;
	[smem:$0x3FD2] =	sst s25  }
0xb5: {  	s5 =	sshll.u32 s26, $0x1;
	_ =	strace $0x80000049;
	[dreg:$0x1] =	wrdreg $0xFFFFFFFF  }
0xb6: {  	s28 =	simm.s32 $_size_execute0_lowered;
	s3 =	sadd.s32 s3, s5;
	[dreg:$0x0] =	wrdreg $0x0  }
0xb7: {  	s5 =	sshll.u32 s28, $0x1;
	[dreg:$0x2] =	wrdreg s3  }
0xb8: {  	[dreg:$0x3] =	wrdreg s5  }
0xb9: {  	[dreg:$0x4] =	wrdreg $0xC0  }
0xba: {  	_ =	task [dreg:s22], $0x5FFFF  }
0xbb: {  	[dreg:$0x1] =	wrdreg $0xFFFFFFFF  }
0xbc: {  	[dreg:$0x0] =	wrdreg $0x60  }
0xbd: {  	[dreg:$0x2] =	wrdreg s24  }
0xbe: {  	[dreg:$0x3] =	wrdreg $0xA  }
0xbf: {  	_ =	task.clear_ibuf [dreg:s22], $0x4FFFF;
	_ =	strace $0x90000049  }
0xc0: {  	s29 =	simm.s32 $0xA;
	_ =	strace $0x8000004B  }
0xc1: {  	_ =	swait.ge [sflag:s29], $0x1  }
0xc2: {  	[sflag:s29] =	ssyncadd.s32 $0xFFFFFFFF  }
0xc3: {  	_ =	strace $0x9000004B  }
0xc4: {  	_ =	sfence  }
0xc5: {  	s30 =	sld [smem:$0x0];
	_ =	sdelay $0x2  }
0xc6: {  	s31 =	sshll.u32 s1, $0xD;
	s1 =	sshrl.u32 s1, $0x2  }
0xc7: {  	s4 =	sand.u32 $0x4000, s31;
	s1 =	sadd.s32 s1, s30  }
0xc8: {  	s0 =	sor.u32 s4, s0;
	s1 =	sshll.u32 s1, $0x11  }
0xc9: {  	s0 =	sor.u32 s1, s0  }
0xca: {  	s0 =	sadd.s32 $0x8F2B, s0  }
0xcb: {  	[sflag:s0] =	ssyncadd.remote.s32 $0x1  }
0xcc: {  	_ =	sfence.sel $0xFFFF  }
0xcd: {  	[dreg:$0x0] =	wrdreg $0xFFFFFFFF;
	(pc) =	sbr.abs _section_cstart, $3  }
0xce: {  	[dreg:$0x1] =	wrdreg $0xFFFFFFFF  }
0xcf: {  	_ =	task.clear_ibuf [dreg:s22], $0x2FFFF;
	_ =	strace $0x9FFFFFFF  }
0xd0: {  	(tm) =	ssettm $0x7FFFFFFF  }
0xd1: {  	_ =	shalt  }
tec
execute0_lowered:
.L_overlay_start_1:
0x0: {  	(tag) =	ssettag $0x1  }
0x1: {  	s0 =	rddreg [dreg:$0x0];
	s1 =	srdreg.scid  }
0x2: {  	s3 =	stileid.u32;
	s2 =	simm.s32 $0x0;
	s9 =	simm.s32 $0x2  }
0x3: {  	s18 =	simm.s32 $0x1;
	s20 =	simm.s32 $0x880;
	s21 =	simm.s32 $0x1080  }
0x4: {  	s22 =	simm.s32 $0x1880;
	s23 =	simm.s32 $0x2080;
	s24 =	simm.s32 $0x2880  }
0x5: {  	s25 =	simm.s32 $0x3080;
	s28 =	simm.s32 $0x4080;
	s29 =	simm.s32 $0x4880  }
0x6: {  	s30 =	simm.s32 $0x5080;
	s31 =	simm.s32 $0x5880;
	s10 =	simm.s32 $0x7080  }
0x7: {  	s11 =	simm.s32 $0x7880;
	s12 =	simm.s32 $0x8080;
	s13 =	simm.s32 $0x8880  }
0x8: {  	s14 =	simm.s32 $0x9080;
	s15 =	simm.s32 $0x9880;
	s16 =	simm.s32 $0xA080  }
0x9: {  	s17 =	simm.s32 $0xA880;
	s8 =	simm.s32 $0xB080;
	s1 =	sand.u32 $0x1, s1  }
0xa: {  	s3 =	sshll.u32 s3, $0x7;
	[smem:$0x7FF] =	sst s2;
	s4 =	sshll.u32 s1, $0x6  }
0xb: {  	_ =	strace $0x8000004A;
	s1 =	ssub.s32 $0x2, s1;
	s3 =	sor.u32 s4, s3  }
0xc: {  	s5 =	sshrl.u32 s1, $0x1;
	s4 =	sshll.u32 s3, $0x7;
	s3 =	sshrl.u32 s3, $0x3  }
0xd: {  	s1 =	ssub.s32 s1, s5;
	s5 =	sadd.s32 $0x13B200, s0;
	s4 =	sadd.s32 s4, s0  }
0xe: {  	s7 =	sadd.s32 s3, s0;
	s3 =	sadd.s32 $0x13B000, s0;
	s4 =	sadd.s32 $0x5AC00, s4  }
0xf: {  	v2 =	vlaneseq.u32;
	s6 =	sadd.s32 $0x13AC00, s7;
	s26 =	sadd.s32 $0x13AE00, s7;
	[dreg:$0x2] =	wrdreg s4  }
0x10: {  	vm0 =	vmmov $0xffff;
	v1 =	vshrl.u32 v2, $0x3;
	s7 =	smax.u32 s1, $0x1;
	s4 =	sadd.s32 $0x13B100, s0;
	[dreg:$0x3] =	wrdreg s6  }
0x11: {  	v0 =	vand.u32 $0x7, v2;
	v2 =	vor.u32 $0x8, v2;
	v1 =	vmul.u32 $0x8, v1;
	s6 =	sadd.s32 $0x13B300, s0;
	[dreg:$0x4] =	wrdreg s26;
	s26 =	simm.s32 $0x3880  }
.LBB2_1:
0x12: {  	s19 =	rddreg [dreg:$0x2];
	s0 =	simm.s32 $0x80  }
0x13: {  	[tilespmem:s0], [sflag:$0x2] =	stream.linear.gather [hbm4b:s19+s2], $0x10000, $0x38;
	[tilespmem:$0x10080] =	vst v63  }
0x14: {  	_ =	swait.ge [sflag:s9], $0x10000  }
0x15: {  	[sflag:s9] =	ssyncset.done $0x0  }
0x16: {  	s1 =	rddreg [dreg:$0x3];
	[sflag:s9] =	ssyncadd.s32 $0xFFFF0000  }
0x17: {  	[tilespmem:s2], [sflag:$0x2] =	stream.linear.gather [hbm4b:s1+s2], $0x40, $0x38;
	[tilespmem:$0x10080] =	vst v63  }
0x18: {  	_ =	swait.ge [sflag:s9], $0x40  }
0x19: {  	[sflag:s9] =	ssyncset.done $0x0  }
0x1a: {  	[sflag:s9] =	ssyncadd.s32 $0xFFFFFFC0  }
0x1b: {  	v3 =	vld [tilespmem:$0x0];
	_ =	sdelay $0x4  }
0x1c: {  	v4 =	vshll.u32 v3, $0x3  }
0x1d: {  	v3 =	vand.u32 $0x7, v3;
	v4 =	vand.u32 $0xFFFFFFC0, v4  }
0x1e: {  	v3 =	vor.u32 v3, v4  }
0x1f: {  	v4 =	vperm.xlane v3, v0;
	_ =	sdelay $0x1  }
0x20: {  	v4 =	vadd.s32 v1, v4;
	_ =	sdelay $0x4  }
0x21: {  	[hbm4b:s3+s2] =	stream.indirect_vreg.scatter [tilespmem:s0], [sflag:$0x1], $0x80, v4, vm0, $0xb8;
	[tilespmem:$0x10080] =	vst v63  }
0x22: {  	v3 =	vperm.xlane v3, v2  }
0x23: {  	[hbm4b:s4+s2] =	stream.indirect_vreg.scatter [tilespmem:s20], [sflag:$0x1], $0x80, v4, vm0, $0xb8;
	[tilespmem:$0x10080] =	vst v63  }
0x24: {  	v3 =	vadd.s32 v1, v3  }
0x25: {  	[hbm4b:s5+s2] =	stream.indirect_vreg.scatter [tilespmem:s21], [sflag:$0x1], $0x80, v4, vm0, $0xb8;
	[tilespmem:$0x10080] =	vst v63  }
0x26: {  	_ = 	snop  }
0x27: {  	[hbm4b:s6+s2] =	stream.indirect_vreg.scatter [tilespmem:s22], [sflag:$0x1], $0x80, v4, vm0, $0xb8;
	[tilespmem:$0x10080] =	vst v63  }
0x28: {  	_ = 	snop  }
0x29: {  	[hbm4b:s3+s2] =	stream.indirect_vreg.scatter [tilespmem:s23], [sflag:$0x1], $0x80, v3, vm0, $0xb8;
	[tilespmem:$0x10080] =	vst v63  }
0x2a: {  	_ = 	snop  }
0x2b: {  	[hbm4b:s4+s2] =	stream.indirect_vreg.scatter [tilespmem:s24], [sflag:$0x1], $0x80, v3, vm0, $0xb8;
	[tilespmem:$0x10080] =	vst v63  }
0x2c: {  	_ = 	snop  }
0x2d: {  	[hbm4b:s5+s2] =	stream.indirect_vreg.scatter [tilespmem:s25], [sflag:$0x1], $0x80, v3, vm0, $0xb8;
	[tilespmem:$0x10080] =	vst v63  }
0x2e: {  	_ = 	snop  }
0x2f: {  	[hbm4b:s6+s2] =	stream.indirect_vreg.scatter [tilespmem:s26], [sflag:$0x1], $0x80, v3, vm0, $0xb8;
	[tilespmem:$0x10080] =	vst v63  }
0x30: {  	v3 =	vld [tilespmem:$0x10];
	_ =	sdelay $0x4  }
0x31: {  	v57 =	vshll.u32 v3, $0x3  }
0x32: {  	v3 =	vand.u32 $0x7, v3;
	v4 =	vand.u32 $0xFFFFFFC0, v57  }
0x33: {  	v3 =	vor.u32 v3, v4  }
0x34: {  	v4 =	vperm.xlane v3, v0;
	_ =	sdelay $0x1  }
0x35: {  	v4 =	vadd.s32 v1, v4;
	_ =	sdelay $0x4  }
0x36: {  	[hbm4b:s3+s2] =	stream.indirect_vreg.scatter [tilespmem:s28], [sflag:$0x1], $0x80, v4, vm0, $0xb8;
	[tilespmem:$0x10080] =	vst v63  }
0x37: {  	v3 =	vperm.xlane v3, v2  }
0x38: {  	[hbm4b:s4+s2] =	stream.indirect_vreg.scatter [tilespmem:s29], [sflag:$0x1], $0x80, v4, vm0, $0xb8;
	[tilespmem:$0x10080] =	vst v63  }
0x39: {  	v3 =	vadd.s32 v1, v3  }
0x3a: {  	[hbm4b:s5+s2] =	stream.indirect_vreg.scatter [tilespmem:s30], [sflag:$0x1], $0x80, v4, vm0, $0xb8;
	[tilespmem:$0x10080] =	vst v63  }
0x3b: {  	_ = 	snop  }
0x3c: {  	[hbm4b:s6+s2] =	stream.indirect_vreg.scatter [tilespmem:s31], [sflag:$0x1], $0x80, v4, vm0, $0xb8;
	[tilespmem:$0x10080] =	vst v63  }
0x3d: {  	s1 =	simm.s32 $0x6080  }
0x3e: {  	[hbm4b:s3+s2] =	stream.indirect_vreg.scatter [tilespmem:s1], [sflag:$0x1], $0x80, v3, vm0, $0xb8;
	[tilespmem:$0x10080] =	vst v63  }
0x3f: {  	s1 =	simm.s32 $0x6880  }
0x40: {  	[hbm4b:s4+s2] =	stream.indirect_vreg.scatter [tilespmem:s1], [sflag:$0x1], $0x80, v3, vm0, $0xb8;
	[tilespmem:$0x10080] =	vst v63  }
0x41: {  	_ = 	snop  }
0x42: {  	[hbm4b:s5+s2] =	stream.indirect_vreg.scatter [tilespmem:s10], [sflag:$0x1], $0x80, v3, vm0, $0xb8;
	[tilespmem:$0x10080] =	vst v63  }
0x43: {  	_ = 	snop  }
0x44: {  	[hbm4b:s6+s2] =	stream.indirect_vreg.scatter [tilespmem:s11], [sflag:$0x1], $0x80, v3, vm0, $0xb8;
	[tilespmem:$0x10080] =	vst v63  }
0x45: {  	v3 =	vld [tilespmem:$0x20];
	_ =	sdelay $0x4  }
0x46: {  	v58 =	vshll.u32 v3, $0x3  }
0x47: {  	v3 =	vand.u32 $0x7, v3;
	v4 =	vand.u32 $0xFFFFFFC0, v58  }
0x48: {  	v3 =	vor.u32 v3, v4  }
0x49: {  	v4 =	vperm.xlane v3, v0;
	_ =	sdelay $0x1  }
0x4a: {  	v4 =	vadd.s32 v1, v4;
	_ =	sdelay $0x4  }
0x4b: {  	[hbm4b:s3+s2] =	stream.indirect_vreg.scatter [tilespmem:s12], [sflag:$0x1], $0x80, v4, vm0, $0xb8;
	[tilespmem:$0x10080] =	vst v63  }
0x4c: {  	v3 =	vperm.xlane v3, v2  }
0x4d: {  	[hbm4b:s4+s2] =	stream.indirect_vreg.scatter [tilespmem:s13], [sflag:$0x1], $0x80, v4, vm0, $0xb8;
	[tilespmem:$0x10080] =	vst v63  }
0x4e: {  	v3 =	vadd.s32 v1, v3  }
0x4f: {  	[hbm4b:s5+s2] =	stream.indirect_vreg.scatter [tilespmem:s14], [sflag:$0x1], $0x80, v4, vm0, $0xb8;
	[tilespmem:$0x10080] =	vst v63  }
0x50: {  	_ = 	snop  }
0x51: {  	[hbm4b:s6+s2] =	stream.indirect_vreg.scatter [tilespmem:s15], [sflag:$0x1], $0x80, v4, vm0, $0xb8;
	[tilespmem:$0x10080] =	vst v63  }
0x52: {  	_ = 	snop  }
0x53: {  	[hbm4b:s3+s2] =	stream.indirect_vreg.scatter [tilespmem:s16], [sflag:$0x1], $0x80, v3, vm0, $0xb8;
	[tilespmem:$0x10080] =	vst v63  }
0x54: {  	_ = 	snop  }
0x55: {  	[hbm4b:s4+s2] =	stream.indirect_vreg.scatter [tilespmem:s17], [sflag:$0x1], $0x80, v3, vm0, $0xb8;
	[tilespmem:$0x10080] =	vst v63  }
0x56: {  	_ = 	snop  }
0x57: {  	[hbm4b:s5+s2] =	stream.indirect_vreg.scatter [tilespmem:s8], [sflag:$0x1], $0x80, v3, vm0, $0xb8;
	[tilespmem:$0x10080] =	vst v63  }
0x58: {  	s19 =	simm.s32 $0xB880  }
0x59: {  	[hbm4b:s6+s2] =	stream.indirect_vreg.scatter [tilespmem:s19], [sflag:$0x1], $0x80, v3, vm0, $0xb8;
	[tilespmem:$0x10080] =	vst v63  }
0x5a: {  	v3 =	vld [tilespmem:$0x30];
	_ =	sdelay $0x4  }
0x5b: {  	v59 =	vshll.u32 v3, $0x3  }
0x5c: {  	v3 =	vand.u32 $0x7, v3;
	v4 =	vand.u32 $0xFFFFFFC0, v59  }
0x5d: {  	v3 =	vor.u32 v3, v4  }
0x5e: {  	v4 =	vperm.xlane v3, v0;
	_ =	sdelay $0x1  }
0x5f: {  	v4 =	vadd.s32 v1, v4;
	_ =	sdelay $0x3  }
0x60: {  	s19 =	simm.s32 $0xC080  }
0x61: {  	[hbm4b:s3+s2] =	stream.indirect_vreg.scatter [tilespmem:s19], [sflag:$0x1], $0x80, v4, vm0, $0xb8;
	[tilespmem:$0x10080] =	vst v63  }
0x62: {  	v3 =	vperm.xlane v3, v2;
	s19 =	simm.s32 $0xC880  }
0x63: {  	[hbm4b:s4+s2] =	stream.indirect_vreg.scatter [tilespmem:s19], [sflag:$0x1], $0x80, v4, vm0, $0xb8;
	[tilespmem:$0x10080] =	vst v63  }
0x64: {  	v3 =	vadd.s32 v1, v3;
	s19 =	simm.s32 $0xD080  }
0x65: {  	[hbm4b:s5+s2] =	stream.indirect_vreg.scatter [tilespmem:s19], [sflag:$0x1], $0x80, v4, vm0, $0xb8;
	[tilespmem:$0x10080] =	vst v63  }
0x66: {  	s19 =	simm.s32 $0xD880  }
0x67: {  	[hbm4b:s6+s2] =	stream.indirect_vreg.scatter [tilespmem:s19], [sflag:$0x1], $0x80, v4, vm0, $0xb8;
	[tilespmem:$0x10080] =	vst v63  }
0x68: {  	s19 =	simm.s32 $0xE080  }
0x69: {  	[hbm4b:s3+s2] =	stream.indirect_vreg.scatter [tilespmem:s19], [sflag:$0x1], $0x80, v3, vm0, $0xb8;
	[tilespmem:$0x10080] =	vst v63  }
0x6a: {  	s19 =	simm.s32 $0xE880  }
0x6b: {  	[hbm4b:s4+s2] =	stream.indirect_vreg.scatter [tilespmem:s19], [sflag:$0x1], $0x80, v3, vm0, $0xb8;
	[tilespmem:$0x10080] =	vst v63  }
0x6c: {  	s19 =	simm.s32 $0xF080  }
0x6d: {  	[hbm4b:s5+s2] =	stream.indirect_vreg.scatter [tilespmem:s19], [sflag:$0x1], $0x80, v3, vm0, $0xb8;
	[tilespmem:$0x10080] =	vst v63  }
0x6e: {  	s19 =	simm.s32 $0xF880  }
0x6f: {  	[hbm4b:s6+s2] =	stream.indirect_vreg.scatter [tilespmem:s19], [sflag:$0x1], $0x80, v3, vm0, $0xb8;
	[tilespmem:$0x10080] =	vst v63  }
0x70: {  	_ =	swait.ge [sflag:s18], $0x10000  }
0x71: {  	[sflag:s18] =	ssyncset.done $0x0  }
0x72: {  	s19 =	rddreg [dreg:$0x4];
	[sflag:s18] =	ssyncadd.s32 $0xFFFF0000  }
0x73: {  	[tilespmem:s2], [sflag:$0x2] =	stream.linear.gather [hbm4b:s19+s2], $0x40, $0x38;
	[tilespmem:$0x10080] =	vst v63  }
0x74: {  	_ =	swait.ge [sflag:s9], $0x40  }
0x75: {  	[sflag:s9] =	ssyncset.done $0x0  }
0x76: {  	[sflag:s9] =	ssyncadd.s32 $0xFFFFFFC0  }
0x77: {  	v3 =	vld [tilespmem:$0x0];
	_ =	sdelay $0x4  }
0x78: {  	v60 =	vshll.u32 v3, $0x3  }
0x79: {  	v3 =	vand.u32 $0x7, v3;
	v4 =	vand.u32 $0xFFFFFFC0, v60  }
0x7a: {  	v3 =	vor.u32 v3, v4  }
0x7b: {  	v4 =	vperm.xlane v3, v0;
	_ =	sdelay $0x1  }
0x7c: {  	v4 =	vadd.s32 v1, v4;
	_ =	sdelay $0x4  }
0x7d: {  	[hbm4b:s3+s2] =	stream.indirect_vreg.scatter [tilespmem:s0], [sflag:$0x1], $0x80, v4, vm0, $0xb8;
	[tilespmem:$0x10080] =	vst v63  }
0x7e: {  	v3 =	vperm.xlane v3, v2  }
0x7f: {  	[hbm4b:s4+s2] =	stream.indirect_vreg.scatter [tilespmem:s20], [sflag:$0x1], $0x80, v4, vm0, $0xb8;
	[tilespmem:$0x10080] =	vst v63  }
0x80: {  	v3 =	vadd.s32 v1, v3  }
0x81: {  	[hbm4b:s5+s2] =	stream.indirect_vreg.scatter [tilespmem:s21], [sflag:$0x1], $0x80, v4, vm0, $0xb8;
	[tilespmem:$0x10080] =	vst v63  }
0x82: {  	_ = 	snop  }
0x83: {  	[hbm4b:s6+s2] =	stream.indirect_vreg.scatter [tilespmem:s22], [sflag:$0x1], $0x80, v4, vm0, $0xb8;
	[tilespmem:$0x10080] =	vst v63  }
0x84: {  	_ = 	snop  }
0x85: {  	[hbm4b:s3+s2] =	stream.indirect_vreg.scatter [tilespmem:s23], [sflag:$0x1], $0x80, v3, vm0, $0xb8;
	[tilespmem:$0x10080] =	vst v63  }
0x86: {  	_ = 	snop  }
0x87: {  	[hbm4b:s4+s2] =	stream.indirect_vreg.scatter [tilespmem:s24], [sflag:$0x1], $0x80, v3, vm0, $0xb8;
	[tilespmem:$0x10080] =	vst v63  }
0x88: {  	_ = 	snop  }
0x89: {  	[hbm4b:s5+s2] =	stream.indirect_vreg.scatter [tilespmem:s25], [sflag:$0x1], $0x80, v3, vm0, $0xb8;
	[tilespmem:$0x10080] =	vst v63  }
0x8a: {  	_ = 	snop  }
0x8b: {  	[hbm4b:s6+s2] =	stream.indirect_vreg.scatter [tilespmem:s26], [sflag:$0x1], $0x80, v3, vm0, $0xb8;
	[tilespmem:$0x10080] =	vst v63  }
0x8c: {  	v3 =	vld [tilespmem:$0x10];
	_ =	sdelay $0x4  }
0x8d: {  	v61 =	vshll.u32 v3, $0x3  }
0x8e: {  	v3 =	vand.u32 $0x7, v3;
	v4 =	vand.u32 $0xFFFFFFC0, v61  }
0x8f: {  	v3 =	vor.u32 v3, v4  }
0x90: {  	v4 =	vperm.xlane v3, v0;
	_ =	sdelay $0x1  }
0x91: {  	v4 =	vadd.s32 v1, v4;
	_ =	sdelay $0x4  }
0x92: {  	[hbm4b:s3+s2] =	stream.indirect_vreg.scatter [tilespmem:s28], [sflag:$0x1], $0x80, v4, vm0, $0xb8;
	[tilespmem:$0x10080] =	vst v63  }
0x93: {  	v3 =	vperm.xlane v3, v2  }
0x94: {  	[hbm4b:s4+s2] =	stream.indirect_vreg.scatter [tilespmem:s29], [sflag:$0x1], $0x80, v4, vm0, $0xb8;
	[tilespmem:$0x10080] =	vst v63  }
0x95: {  	v3 =	vadd.s32 v1, v3  }
0x96: {  	[hbm4b:s5+s2] =	stream.indirect_vreg.scatter [tilespmem:s30], [sflag:$0x1], $0x80, v4, vm0, $0xb8;
	[tilespmem:$0x10080] =	vst v63  }
0x97: {  	_ = 	snop  }
0x98: {  	[hbm4b:s6+s2] =	stream.indirect_vreg.scatter [tilespmem:s31], [sflag:$0x1], $0x80, v4, vm0, $0xb8;
	[tilespmem:$0x10080] =	vst v63  }
0x99: {  	s19 =	simm.s32 $0x6080  }
0x9a: {  	[hbm4b:s3+s2] =	stream.indirect_vreg.scatter [tilespmem:s19], [sflag:$0x1], $0x80, v3, vm0, $0xb8;
	[tilespmem:$0x10080] =	vst v63  }
0x9b: {  	_ = 	snop  }
0x9c: {  	[hbm4b:s4+s2] =	stream.indirect_vreg.scatter [tilespmem:s1], [sflag:$0x1], $0x80, v3, vm0, $0xb8;
	[tilespmem:$0x10080] =	vst v63  }
0x9d: {  	_ = 	snop  }
0x9e: {  	[hbm4b:s5+s2] =	stream.indirect_vreg.scatter [tilespmem:s10], [sflag:$0x1], $0x80, v3, vm0, $0xb8;
	[tilespmem:$0x10080] =	vst v63  }
0x9f: {  	_ = 	snop  }
0xa0: {  	[hbm4b:s6+s2] =	stream.indirect_vreg.scatter [tilespmem:s11], [sflag:$0x1], $0x80, v3, vm0, $0xb8;
	[tilespmem:$0x10080] =	vst v63  }
0xa1: {  	v3 =	vld [tilespmem:$0x20];
	_ =	sdelay $0x4  }
0xa2: {  	v62 =	vshll.u32 v3, $0x3  }
0xa3: {  	v3 =	vand.u32 $0x7, v3;
	v4 =	vand.u32 $0xFFFFFFC0, v62  }
0xa4: {  	v3 =	vor.u32 v3, v4  }
0xa5: {  	v4 =	vperm.xlane v3, v0;
	_ =	sdelay $0x1  }
0xa6: {  	v4 =	vadd.s32 v1, v4;
	_ =	sdelay $0x4  }
0xa7: {  	[hbm4b:s3+s2] =	stream.indirect_vreg.scatter [tilespmem:s12], [sflag:$0x1], $0x80, v4, vm0, $0xb8;
	[tilespmem:$0x10080] =	vst v63  }
0xa8: {  	v3 =	vperm.xlane v3, v2  }
0xa9: {  	[hbm4b:s4+s2] =	stream.indirect_vreg.scatter [tilespmem:s13], [sflag:$0x1], $0x80, v4, vm0, $0xb8;
	[tilespmem:$0x10080] =	vst v63  }
0xaa: {  	v3 =	vadd.s32 v1, v3  }
0xab: {  	[hbm4b:s5+s2] =	stream.indirect_vreg.scatter [tilespmem:s14], [sflag:$0x1], $0x80, v4, vm0, $0xb8;
	[tilespmem:$0x10080] =	vst v63  }
0xac: {  	_ = 	snop  }
0xad: {  	[hbm4b:s6+s2] =	stream.indirect_vreg.scatter [tilespmem:s15], [sflag:$0x1], $0x80, v4, vm0, $0xb8;
	[tilespmem:$0x10080] =	vst v63  }
0xae: {  	_ = 	snop  }
0xaf: {  	[hbm4b:s3+s2] =	stream.indirect_vreg.scatter [tilespmem:s16], [sflag:$0x1], $0x80, v3, vm0, $0xb8;
	[tilespmem:$0x10080] =	vst v63  }
0xb0: {  	_ = 	snop  }
0xb1: {  	[hbm4b:s4+s2] =	stream.indirect_vreg.scatter [tilespmem:s17], [sflag:$0x1], $0x80, v3, vm0, $0xb8;
	[tilespmem:$0x10080] =	vst v63  }
0xb2: {  	_ = 	snop  }
0xb3: {  	[hbm4b:s5+s2] =	stream.indirect_vreg.scatter [tilespmem:s8], [sflag:$0x1], $0x80, v3, vm0, $0xb8;
	[tilespmem:$0x10080] =	vst v63  }
0xb4: {  	s19 =	simm.s32 $0xB880  }
0xb5: {  	[hbm4b:s6+s2] =	stream.indirect_vreg.scatter [tilespmem:s19], [sflag:$0x1], $0x80, v3, vm0, $0xb8;
	[tilespmem:$0x10080] =	vst v63  }
0xb6: {  	v3 =	vld [tilespmem:$0x30];
	_ =	sdelay $0x4  }
0xb7: {  	v63 =	vshll.u32 v3, $0x3  }
0xb8: {  	v3 =	vand.u32 $0x7, v3;
	v4 =	vand.u32 $0xFFFFFFC0, v63  }
0xb9: {  	v3 =	vor.u32 v3, v4  }
0xba: {  	v4 =	vperm.xlane v3, v0;
	_ =	sdelay $0x1  }
0xbb: {  	v4 =	vadd.s32 v1, v4;
	_ =	sdelay $0x3  }
0xbc: {  	s1 =	simm.s32 $0xC080  }
0xbd: {  	[hbm4b:s3+s2] =	stream.indirect_vreg.scatter [tilespmem:s1], [sflag:$0x1], $0x80, v4, vm0, $0xb8;
	[tilespmem:$0x10080] =	vst v63  }
0xbe: {  	s19 =	simm.s32 $0xC880;
	v3 =	vperm.xlane v3, v2  }
0xbf: {  	[hbm4b:s4+s2] =	stream.indirect_vreg.scatter [tilespmem:s19], [sflag:$0x1], $0x80, v4, vm0, $0xb8;
	[tilespmem:$0x10080] =	vst v63  }
0xc0: {  	v3 =	vadd.s32 v1, v3;
	s1 =	simm.s32 $0xD080  }
0xc1: {  	[hbm4b:s5+s2] =	stream.indirect_vreg.scatter [tilespmem:s1], [sflag:$0x1], $0x80, v4, vm0, $0xb8;
	[tilespmem:$0x10080] =	vst v63  }
0xc2: {  	s19 =	simm.s32 $0xD880  }
0xc3: {  	[hbm4b:s6+s2] =	stream.indirect_vreg.scatter [tilespmem:s19], [sflag:$0x1], $0x80, v4, vm0, $0xb8;
	[tilespmem:$0x10080] =	vst v63  }
0xc4: {  	s1 =	simm.s32 $0xE080  }
0xc5: {  	[hbm4b:s3+s2] =	stream.indirect_vreg.scatter [tilespmem:s1], [sflag:$0x1], $0x80, v3, vm0, $0xb8;
	[tilespmem:$0x10080] =	vst v63  }
0xc6: {  	s19 =	simm.s32 $0xE880  }
0xc7: {  	[hbm4b:s4+s2] =	stream.indirect_vreg.scatter [tilespmem:s19], [sflag:$0x1], $0x80, v3, vm0, $0xb8;
	[tilespmem:$0x10080] =	vst v63  }
0xc8: {  	p0 =	sne.s32 s7, $0x1;
	s1 =	simm.s32 $0xF080  }
0xc9: {  	[hbm4b:s5+s2] =	stream.indirect_vreg.scatter [tilespmem:s1], [sflag:$0x1], $0x80, v3, vm0, $0xb8;
	[tilespmem:$0x10080] =	vst v63  }
.Ltmp0:
0xca: {  	s19 =	simm.s32 $0xF880;
	(pc) =	sbr.rel @p0 .LBB2_1-.Ltmp0, $4  }
0xcb: {  	[hbm4b:s6+s2] =	stream.indirect_vreg.scatter [tilespmem:s19], [sflag:$0x1], $0x80, v3, vm0, $0xb8;
	[tilespmem:$0x10080] =	vst v63  }
0xcc: {  	_ =	swait.ge [sflag:s18], $0x10000  }
0xcd: {  	[sflag:s18] =	ssyncset.done $0x0  }
0xce: {  	s7 =	sadd.s32 $0xFFFFFFFF, s7;
	[sflag:s18] =	ssyncadd.s32 $0xFFFF0000  }
0xcf: {  	_ =	sfence.sel $0x180000  }
0xd0: {  	[bflag:$0x0] =	sbarrier.arrive $0xFFFF  }
0xd1: {  	_ =	strace $0x9000004A  }
0xd2: {  	s0 =	stileid.u32;
	[bflag:$0x2] =	sbarrier.arrive $0xFFFF  }
0xd3: {  	p0 =	sne.s32 s0, $0x0;
	s0 =	rddreg [dreg:$0x1]  }
0xd4: {  	s0 =	sadd.s32 @!p0 $0x100000, s0  }
0xd5: {  	[sflag:s0] =	ssyncadd.tile.s32 @!p0 $0x1;
	_ =	shalt  }
.Lfunc_end2:
_tile_overlayer_lowered:
.L_overlay_start_2:
0xd6: {  	(tag) =	ssettag $0x2  }
0xd7: {  	s0 =	rddreg [dreg:$0x0];
	s2 =	stileid.u32  }
0xd8: {  	s1 =	rddreg [dreg:$0x1];
	p0 =	sne.s32 s2, $0x0  }
0xd9: {  	s3 =	rddreg [dreg:$0x2];
	[bflag:$0x3] =	sbarrier.arrive $0xFFFF;
	s2 =	simm.s32 @!p0 $0x1C02  }
0xda: {  	[timem:s3], [sflag:s2] =	dma.local @!p0 [hbm:s0], s1  }
0xdb: {  	s0 =	simm.s32 @!p0 $0x2  }
0xdc: {  	_ =	swait.ge @!p0 [sflag:s0], s1  }
0xdd: {  	s1 =	ssub.s32 @!p0 $0x0, s1;
	[sflag:s0] =	ssyncset.done @!p0 $0x0  }
0xde: {  	[sflag:s0] =	ssyncadd.s32 @!p0 s1  }
0xdf: {  	[bflag:$0x3] =	sbarrier.arrive $0xFFFF  }
0xe0: {  	_ =	shalt  }

// kernel: kernel.21.cloned.1.call-start
scs
__scs_entry_jumppad:
0x0: {  	(pc) =	sbr.rel $0x88, $3  }
0x1: {  	(tag) =	ssettag $0x0;
	lr =	simm.s32 $0x1  }
0x2: {  	[smem:$0x3F9E] =	sst lr;
	_ =	strace $0xD0000000  }
0x3: {  	_ = 	snop  }
0x4: {  	_ = 	snop  }
0x5: {  	_ = 	snop  }
0x6: {  	_ = 	snop  }
0x7: {  	_ = 	snop  }
__scs_overlays_trampoline_lowered:
0x8: {  	[smem:$0x3FAD] =	sst s0  }
0x9: {  	[smem:$0x3FAE] =	sst s1  }
0xa: {  	[smem:$0x3FAF] =	sst s2  }
0xb: {  	[smem:$0x3FB0] =	sst s3  }
0xc: {  	[smem:$0x3FB1] =	sst s4  }
0xd: {  	[smem:$0x3FB2] =	sst s5  }
0xe: {  	[smem:$0x3FB3] =	sst s6  }
0xf: {  	[smem:$0x3FB4] =	sst s7  }
0x10: {  	[smem:$0x3FB5] =	sst s8  }
0x11: {  	[smem:$0x3FB6] =	sst s9;
	s0 =	simm.s32 @!p0 $0x0  }
0x12: {  	s1 =	sld [smem:$0x3F9C];
	s0 =	simm.s32 @p0 $0x1  }
0x13: {  	[smem:$0x3FB7] =	sst s0;
	s0 =	simm.s32 @!p1 $0x0  }
0x14: {  	s2 =	sld [smem:$0x3F9B];
	s0 =	simm.s32 @p1 $0x1  }
0x15: {  	[smem:$0x3FB8] =	sst s0;
	s0 =	simm.s32 @!p2 $0x0  }
0x16: {  	s3 =	sld [smem:$0x3FDB];
	s0 =	simm.s32 @p2 $0x1  }
0x17: {  	s4 =	simm.s32 $0x1BF5;
	[smem:$0x3FBA] =	sst s0  }
0x18: {  	s0 =	sld [smem:$0x3F9D];
	_ =	swait.ge [sflag:s4], $0x0  }
0x19: {  	s7 =	sld [smem:$0x3F9E]  }
0x1a: {  	s8 =	sadd.s32 $0xFFFFE003, lr  }
0x1b: {  	s9 =	sadd.s32 $0xFFFFFEF7, lr;
	s5 =	simm.s32 $0xFFFFFFFF;
	p2 =	slt.u32 s8, $0xFFFFF086  }
0x1c: {  	p1 =	slt.u32 s9, $0xF7A;
	s5 =	simm.s32 @!p2 $0x0  }
0x1d: {  	s5 =	simm.s32 @p1 $0x1;
	p0 =	seq.s32 s7, s2  }
0x1e: {  	s7 =	smul.u32 @!p0 $0xF7A, s2;
	p2 =	seq.s32 @!p0 s5, $0x0  }
0x1f: {  	s9 =	smul.u32 $0xF7A, s1;
	s8 =	simm.s32 @!p0 $0x1BF5;
	p2 =	por !p2, p0  }
0x20: {  	[sflag:s8] =	ssyncset.s32 @!p0 $0xFFFFF086;
	s6 =	sadd.s32 @!p0 s3, s7;
	s7 =	simm.s32 @!p0 $0x108  }
0x21: {  	s3 =	sadd.s32 s3, s9;
	s6 =	sadd.s32 @!p0 $0x88, s6;
	s7 =	simm.s32 @p2 $0x1082  }
0x22: {  	[simem:s7], [sflag:s8] =	dma.local @!p0 [hbm:s6], $0xF7A  }
0x23: {  	s9 =	sor.u32 $0xD0000000, s2;
	s6 =	simm.s32 $0x108;
	_ =	swait.ge @!p0 [sflag:s8], $0x0  }
0x24: {  	s3 =	sadd.s32 $0x88, s3;
	s6 =	simm.s32 @!p1 $0x1082;
	[sflag:s4] =	ssyncset.s32 $0xFFFFF086  }
0x25: {  	[simem:s6], [sflag:s4] =	dma.local [hbm:s3], $0xF7A  }
0x26: {  	[smem:$0x3F9E] =	sst s1;
	(tag) =	ssettag s2;
	_ =	strace s9  }
0x27: {  	s1 =	sld [smem:$0x3FAE]  }
0x28: {  	s2 =	sld [smem:$0x3FAF]  }
0x29: {  	s4 =	sld [smem:$0x3FB1]  }
0x2a: {  	p0 =	seq.s32 s5, $0x0;
	s5 =	sld [smem:$0x3FB2]  }
0x2b: {  	s6 =	sld [smem:$0x3FB3]  }
0x2c: {  	s7 =	sld [smem:$0x3FB4]  }
0x2d: {  	s3 =	simm.s32 $0x108;
	s8 =	sld [smem:$0x3FB5]  }
0x2e: {  	s3 =	simm.s32 @!p0 $0x1082;
	s9 =	sld [smem:$0x3FB6]  }
0x2f: {  	lr =	sadd.s32 s0, s3;
	s0 =	sld [smem:$0x3FAD]  }
0x30: {  	s3 =	sld [smem:$0x3FB0]  }
0x31: {  	[smem:$0x3FB9] =	sst s10  }
0x32: {  	s10 =	sld [smem:$0x3FB7];
	_ =	sdelay $0x3  }
0x33: {  	p0 =	seq.s32 s10, $0x1;
	s10 =	sld [smem:$0x3FB9];
	_ =	sdelay $0x3  }
0x34: {  	[smem:$0x3FB9] =	sst s10  }
0x35: {  	s10 =	sld [smem:$0x3FB8];
	_ =	sdelay $0x3  }
0x36: {  	p1 =	seq.s32 s10, $0x1;
	s10 =	sld [smem:$0x3FB9];
	_ =	sdelay $0x3  }
0x37: {  	[smem:$0x3FB9] =	sst s10  }
0x38: {  	s10 =	sld [smem:$0x3FBA]  }
0x39: {  	_ = 	snop;
	(pc) =	sbr.ind lr, $3  }
0x3a: {  	_ = 	snop  }
0x3b: {  	_ = 	snop  }
0x3c: {  	p2 =	seq.s32 s10, $0x1;
	s10 =	sld [smem:$0x3FB9]  }
0x3d: {  	_ =	shalt  }
0x3e: {  	_ =	shalt  }
0x3f: {  	_ =	shalt  }
0x40: {  	_ =	shalt  }
0x41: {  	_ =	shalt  }
0x42: {  	_ =	shalt  }
0x43: {  	_ =	shalt  }
0x44: {  	_ =	shalt  }
0x45: {  	_ =	shalt  }
0x46: {  	_ =	shalt  }
0x47: {  	_ =	shalt  }
0x48: {  	_ =	shalt  }
0x49: {  	_ =	shalt  }
0x4a: {  	_ =	shalt  }
0x4b: {  	_ =	shalt  }
0x4c: {  	_ =	shalt  }
0x4d: {  	_ =	shalt  }
0x4e: {  	_ =	shalt  }
0x4f: {  	_ =	shalt  }
0x50: {  	_ =	shalt  }
0x51: {  	_ =	shalt  }
0x52: {  	_ =	shalt  }
0x53: {  	_ =	shalt  }
0x54: {  	_ =	shalt  }
0x55: {  	_ =	shalt  }
0x56: {  	_ =	shalt  }
0x57: {  	_ =	shalt  }
0x58: {  	_ =	shalt  }
0x59: {  	_ =	shalt  }
0x5a: {  	_ =	shalt  }
0x5b: {  	_ =	shalt  }
0x5c: {  	_ =	shalt  }
0x5d: {  	_ =	shalt  }
0x5e: {  	_ =	shalt  }
0x5f: {  	_ =	shalt  }
0x60: {  	_ =	shalt  }
0x61: {  	_ =	shalt  }
0x62: {  	_ =	shalt  }
0x63: {  	_ =	shalt  }
0x64: {  	_ =	shalt  }
0x65: {  	_ =	shalt  }
0x66: {  	_ =	shalt  }
0x67: {  	_ =	shalt  }
0x68: {  	_ =	shalt  }
0x69: {  	_ =	shalt  }
0x6a: {  	_ =	shalt  }
0x6b: {  	_ =	shalt  }
0x6c: {  	_ =	shalt  }
0x6d: {  	_ =	shalt  }
0x6e: {  	_ =	shalt  }
0x6f: {  	_ =	shalt  }
0x70: {  	_ =	shalt  }
0x71: {  	_ =	shalt  }
0x72: {  	_ =	shalt  }
0x73: {  	_ =	shalt  }
0x74: {  	_ =	shalt  }
0x75: {  	_ =	shalt  }
0x76: {  	_ =	shalt  }
0x77: {  	_ =	shalt  }
0x78: {  	_ =	shalt  }
0x79: {  	_ =	shalt  }
0x7a: {  	_ =	shalt  }
0x7b: {  	_ =	shalt  }
0x7c: {  	_ =	shalt  }
0x7d: {  	_ =	shalt  }
0x7e: {  	_ =	shalt  }
0x7f: {  	_ =	shalt  }
0x80: {  	_ =	shalt  }
0x81: {  	_ =	shalt  }
0x82: {  	_ =	shalt  }
0x83: {  	_ =	shalt  }
0x84: {  	_ =	shalt  }
0x85: {  	_ =	shalt  }
0x86: {  	_ =	shalt  }
0x87: {  	_ =	shalt  }
.Lfunc_end0:
.L_simem_size_0:
called_computation.3_lowered:
.L_overlay_start_0:
0x88: {  	s2 =	sld [smem:$0x3FD9]  }
0x89: {  	s3 =	sld [smem:$0x3FFE];
	_ =	sdelay $0x1  }
0x8a: {  	s1 =	srdreg.scid  }
0x8b: {  	s0 =	sand.u32 $0x1, s1  }
0x8c: {  	s17 =	sshll.u32 s0, $0xA;
	s2 =	sadd.s32 s3, s2  }
0x8d: {  	s2 =	sadd.s32 s2, s17  }
0x8e: {  	[smem:$0x3FC5] =	sst s2  }
0x8f: {  	_ = 	snop  }
0x90: {  	(tm) =	ssettm $0x1  }
0x91: {  	s18 =	sld [smem:$0x3FFB];
	_ =	sdelay $0x3  }
0x92: {  	_ =	strace s18  }
0x93: {  	s2 =	sld [smem:$0x3FFC];
	_ =	sdelay $0x3  }
0x94: {  	_ =	strace s2  }
0x95: {  	s2 =	sld [smem:$0x3FFD];
	_ =	sdelay $0x3  }
0x96: {  	_ =	strace s2  }
0x97: {  	_ =	strace $0x8FFFFFFF  }
0x98: {  	s19 =	sld [smem:$0x3FDB];
	_ =	sdelay $0x1  }
0x99: {  	s20 =	simm.s32 $_scs_section_size  }
0x9a: {  	s4 =	simm.s32 $_size__tile_overlayer_lowered;
	s5 =	simm.s32 $_tile_overlayer_lowered  }
0x9b: {  	s6 =	simm.s32 $0x1BFF;
	s21 =	sshll.u32 s5, $0x1;
	s3 =	sadd.s32 s20, s19  }
0x9c: {  	s22 =	simm.s32 $0x0;
	s4 =	sshll.u32 s4, $0x1;
	s5 =	sadd.s32 s21, s3  }
0x9d: {  	[timem:s22], [sflag:s6] =	dma.local [hbm:s5], s4  }
0x9e: {  	_ =	swait.ge [sflag:s6], s4  }
0x9f: {  	s4 =	ssub.s32 $0x0, s4;
	[sflag:s6] =	ssyncset.done $0x0  }
0xa0: {  	[sflag:s6] =	ssyncadd.s32 s4;
	_ =	sdelay $0x1  }
0xa1: {  	s23 =	simm.s32 $0x1B8B  }
0xa2: {  	_ =	swait.ge [sflag:s23], $0x1  }
0xa3: {  	[sflag:s23] =	ssyncset.done $0x0  }
0xa4: {  	[sflag:s23] =	ssyncadd.s32 $0xFFFFFFFF  }
0xa5: {  	s4 =	sld [smem:$0x0]  }
0xa6: {  	s5 =	sand.u32 $0xFFFFFFFE, s1  }
0xa7: {  	p0 =	sne.s32 s1, s5  }
0xa8: {  	s5 =	sshll.u32 @p0 s5, $0xE  }
0xa9: {  	s5 =	sadd.s32 @p0 $0x11B8D, s5;
	s6 =	sshll.u32 @p0 s4, $0x11  }
0xaa: {  	s5 =	sor.u32 @p0 s6, s5  }
0xab: {  	[sflag:s5] =	ssyncadd.remote.s32 @p0 $0x1;
	_ =	sdelay $0x1  }
0xac: {  	s5 =	simm.s32 @p0 $0x1B8D  }
0xad: {  	_ =	swait.eq @p0 [sflag:s5], $0x1  }
0xae: {  	[sflag:s5] =	ssyncadd.s32 @p0 $0xFFFFFFFF  }
0xaf: {  	s6 =	sshll.u32 @!p0 s1, $0xE  }
0xb0: {  	s6 =	sor.u32 @!p0 $0x4000, s6;
	s5 =	simm.s32 @!p0 $0x1B8D  }
0xb1: {  	s4 =	sshll.u32 @!p0 s4, $0x11;
	s6 =	sadd.s32 @!p0 $0x11B8D, s6;
	_ =	swait.eq @!p0 [sflag:s5], $0x1  }
0xb2: {  	s4 =	sor.u32 @!p0 s4, s6;
	[sflag:s5] =	ssyncadd.s32 @!p0 $0xFFFFFFFF  }
0xb3: {  	s25 =	simm.s32 $0x1B8E;
	s24 =	sld [smem:$0x3FFE];
	[sflag:s4] =	ssyncadd.remote.s32 @!p0 $0x1  }
0xb4: {  	s26 =	simm.s32 $execute0_lowered;
	[smem:$0x3FD2] =	sst s25  }
0xb5: {  	s5 =	sshll.u32 s26, $0x1;
	_ =	strace $0x8000004F;
	[dreg:$0x1] =	wrdreg $0xFFFFFFFF  }
0xb6: {  	s28 =	simm.s32 $_size_execute0_lowered;
	s3 =	sadd.s32 s3, s5;
	[dreg:$0x0] =	wrdreg $0x0  }
0xb7: {  	s5 =	sshll.u32 s28, $0x1;
	[dreg:$0x2] =	wrdreg s3  }
0xb8: {  	[dreg:$0x3] =	wrdreg s5  }
0xb9: {  	[dreg:$0x4] =	wrdreg $0xC0  }
0xba: {  	_ =	task [dreg:s22], $0x5FFFF  }
0xbb: {  	[dreg:$0x1] =	wrdreg $0xFFFFFFFF  }
0xbc: {  	[dreg:$0x0] =	wrdreg $0x60  }
0xbd: {  	[dreg:$0x2] =	wrdreg s24  }
0xbe: {  	[dreg:$0x3] =	wrdreg $0xA  }
0xbf: {  	_ =	task.clear_ibuf [dreg:s22], $0x4FFFF;
	_ =	strace $0x9000004F  }
0xc0: {  	s29 =	simm.s32 $0xA;
	_ =	strace $0x80000051  }
0xc1: {  	_ =	swait.ge [sflag:s29], $0x1  }
0xc2: {  	[sflag:s29] =	ssyncadd.s32 $0xFFFFFFFF  }
0xc3: {  	_ =	strace $0x90000051  }
0xc4: {  	_ =	sfence  }
0xc5: {  	s30 =	sld [smem:$0x0];
	_ =	sdelay $0x2  }
0xc6: {  	s31 =	sshll.u32 s1, $0xD;
	s1 =	sshrl.u32 s1, $0x2  }
0xc7: {  	s4 =	sand.u32 $0x4000, s31;
	s1 =	sadd.s32 s1, s30  }
0xc8: {  	s0 =	sor.u32 s4, s0;
	s1 =	sshll.u32 s1, $0x11  }
0xc9: {  	s0 =	sor.u32 s1, s0  }
0xca: {  	s0 =	sadd.s32 $0x8F2B, s0  }
0xcb: {  	[sflag:s0] =	ssyncadd.remote.s32 $0x1  }
0xcc: {  	_ =	sfence.sel $0xFFFF  }
0xcd: {  	[dreg:$0x0] =	wrdreg $0xFFFFFFFF;
	(pc) =	sbr.abs _section_cstart, $3  }
0xce: {  	[dreg:$0x1] =	wrdreg $0xFFFFFFFF  }
0xcf: {  	_ =	task.clear_ibuf [dreg:s22], $0x2FFFF;
	_ =	strace $0x9FFFFFFF  }
0xd0: {  	(tm) =	ssettm $0x7FFFFFFF  }
0xd1: {  	_ =	shalt  }
tec
execute0_lowered:
.L_overlay_start_1:
0x0: {  	(tag) =	ssettag $0x1  }
0x1: {  	s0 =	rddreg [dreg:$0x0];
	s1 =	srdreg.scid  }
0x2: {  	s2 =	simm.s32 $0x0;
	s3 =	stileid.u32;
	s18 =	simm.s32 $0x1  }
0x3: {  	s20 =	simm.s32 $0x880;
	s21 =	simm.s32 $0x1080;
	s22 =	simm.s32 $0x1880  }
0x4: {  	s28 =	simm.s32 $0x4080;
	s29 =	simm.s32 $0x4880;
	s30 =	simm.s32 $0x5080  }
0x5: {  	s31 =	simm.s32 $0x5880;
	s10 =	simm.s32 $0x7080;
	s11 =	simm.s32 $0x7880  }
0x6: {  	s12 =	simm.s32 $0x8080;
	s13 =	simm.s32 $0x8880;
	s14 =	simm.s32 $0x9080  }
0x7: {  	s15 =	simm.s32 $0x9880;
	s16 =	simm.s32 $0xA080;
	s17 =	simm.s32 $0xA880  }
0x8: {  	s9 =	simm.s32 $0xB080;
	s1 =	sand.u32 $0x1, s1;
	[smem:$0x7FF] =	sst s2  }
0x9: {  	s3 =	sshll.u32 s3, $0x7;
	s4 =	sshll.u32 s1, $0x6;
	_ =	strace $0x80000050  }
0xa: {  	s1 =	ssub.s32 $0x2, s1;
	s4 =	sor.u32 s4, s3;
	s3 =	sadd.s32 $0x27B000, s0  }
0xb: {  	s23 =	sshrl.u32 s1, $0x1;
	s5 =	sshrl.u32 s4, $0x3;
	s4 =	sshll.u32 s4, $0x7  }
0xc: {  	s1 =	ssub.s32 s1, s23;
	s23 =	simm.s32 $0x2080;
	s6 =	sadd.s32 s5, s0  }
0xd: {  	s7 =	sadd.s32 s4, s0;
	s4 =	sadd.s32 $0x27B100, s0;
	s24 =	sadd.s32 $0x13AC00, s6  }
0xe: {  	s5 =	sadd.s32 $0x27B200, s0;
	s8 =	sadd.s32 $0x13B000, s7;
	[dreg:$0x2] =	wrdreg s24  }
0xf: {  	s25 =	sadd.s32 $0x13AE00, s6;
	s6 =	sadd.s32 $0x27B300, s0;
	[dreg:$0x3] =	wrdreg s8  }
0x10: {  	v2 =	vlaneseq.u32;
	s26 =	sadd.s32 $0x17B000, s7;
	s7 =	smax.u32 s1, $0x1;
	[dreg:$0x4] =	wrdreg s25  }
0x11: {  	vm0 =	vmmov $0xffff;
	v1 =	vshrl.u32 v2, $0x3;
	s0 =	simm.s32 $0x80;
	[dreg:$0x5] =	wrdreg s26;
	s8 =	simm.s32 $0x2  }
0x12: {  	v0 =	vand.u32 $0x7, v2;
	v2 =	vor.u32 $0x8, v2;
	v1 =	vmul.u32 $0x8, v1;
	s24 =	simm.s32 $0x2880;
	s25 =	simm.s32 $0x3080;
	s26 =	simm.s32 $0x3880  }
.LBB2_1:
0x13: {  	s19 =	rddreg [dreg:$0x2]  }
0x14: {  	[tilespmem:s2], [sflag:$0x2] =	stream.linear.gather [hbm4b:s19+s2], $0x40, $0x38;
	[tilespmem:$0x10080] =	vst v63  }
0x15: {  	_ =	swait.ge [sflag:s8], $0x40  }
0x16: {  	[sflag:s8] =	ssyncset.done $0x0  }
0x17: {  	[sflag:s8] =	ssyncadd.s32 $0xFFFFFFC0  }
0x18: {  	v3 =	vld [tilespmem:$0x0];
	_ =	sdelay $0x4  }
0x19: {  	v4 =	vshll.u32 v3, $0x3  }
0x1a: {  	v3 =	vand.u32 $0x7, v3;
	v4 =	vand.u32 $0xFFFFFFC0, v4  }
0x1b: {  	v3 =	vor.u32 v3, v4  }
0x1c: {  	v4 =	vperm.xlane v3, v0;
	_ =	sdelay $0x1  }
0x1d: {  	v4 =	vadd.s32 v1, v4;
	_ =	sdelay $0x4  }
0x1e: {  	[tilespmem:s0], [sflag:$0x1] =	stream.indirect_vreg.gather [hbm4b:s3+s2], $0x80, v4, vm0, $0xb8;
	[tilespmem:$0x10080] =	vst v63  }
0x1f: {  	v3 =	vperm.xlane v3, v2  }
0x20: {  	[tilespmem:s20], [sflag:$0x1] =	stream.indirect_vreg.gather [hbm4b:s4+s2], $0x80, v4, vm0, $0xb8;
	[tilespmem:$0x10080] =	vst v63  }
0x21: {  	v3 =	vadd.s32 v1, v3  }
0x22: {  	[tilespmem:s21], [sflag:$0x1] =	stream.indirect_vreg.gather [hbm4b:s5+s2], $0x80, v4, vm0, $0xb8;
	[tilespmem:$0x10080] =	vst v63  }
0x23: {  	_ = 	snop  }
0x24: {  	[tilespmem:s22], [sflag:$0x1] =	stream.indirect_vreg.gather [hbm4b:s6+s2], $0x80, v4, vm0, $0xb8;
	[tilespmem:$0x10080] =	vst v63  }
0x25: {  	_ = 	snop  }
0x26: {  	[tilespmem:s23], [sflag:$0x1] =	stream.indirect_vreg.gather [hbm4b:s3+s2], $0x80, v3, vm0, $0xb8;
	[tilespmem:$0x10080] =	vst v63  }
0x27: {  	_ = 	snop  }
0x28: {  	[tilespmem:s24], [sflag:$0x1] =	stream.indirect_vreg.gather [hbm4b:s4+s2], $0x80, v3, vm0, $0xb8;
	[tilespmem:$0x10080] =	vst v63  }
0x29: {  	_ = 	snop  }
0x2a: {  	[tilespmem:s25], [sflag:$0x1] =	stream.indirect_vreg.gather [hbm4b:s5+s2], $0x80, v3, vm0, $0xb8;
	[tilespmem:$0x10080] =	vst v63  }
0x2b: {  	_ = 	snop  }
0x2c: {  	[tilespmem:s26], [sflag:$0x1] =	stream.indirect_vreg.gather [hbm4b:s6+s2], $0x80, v3, vm0, $0xb8;
	[tilespmem:$0x10080] =	vst v63  }
0x2d: {  	v3 =	vld [tilespmem:$0x10];
	_ =	sdelay $0x4  }
0x2e: {  	v57 =	vshll.u32 v3, $0x3  }
0x2f: {  	v3 =	vand.u32 $0x7, v3;
	v4 =	vand.u32 $0xFFFFFFC0, v57  }
0x30: {  	v3 =	vor.u32 v3, v4  }
0x31: {  	v4 =	vperm.xlane v3, v0;
	_ =	sdelay $0x1  }
0x32: {  	v4 =	vadd.s32 v1, v4;
	_ =	sdelay $0x4  }
0x33: {  	[tilespmem:s28], [sflag:$0x1] =	stream.indirect_vreg.gather [hbm4b:s3+s2], $0x80, v4, vm0, $0xb8;
	[tilespmem:$0x10080] =	vst v63  }
0x34: {  	v3 =	vperm.xlane v3, v2  }
0x35: {  	[tilespmem:s29], [sflag:$0x1] =	stream.indirect_vreg.gather [hbm4b:s4+s2], $0x80, v4, vm0, $0xb8;
	[tilespmem:$0x10080] =	vst v63  }
0x36: {  	v3 =	vadd.s32 v1, v3  }
0x37: {  	[tilespmem:s30], [sflag:$0x1] =	stream.indirect_vreg.gather [hbm4b:s5+s2], $0x80, v4, vm0, $0xb8;
	[tilespmem:$0x10080] =	vst v63  }
0x38: {  	_ = 	snop  }
0x39: {  	[tilespmem:s31], [sflag:$0x1] =	stream.indirect_vreg.gather [hbm4b:s6+s2], $0x80, v4, vm0, $0xb8;
	[tilespmem:$0x10080] =	vst v63  }
0x3a: {  	s1 =	simm.s32 $0x6080  }
0x3b: {  	[tilespmem:s1], [sflag:$0x1] =	stream.indirect_vreg.gather [hbm4b:s3+s2], $0x80, v3, vm0, $0xb8;
	[tilespmem:$0x10080] =	vst v63  }
0x3c: {  	s1 =	simm.s32 $0x6880  }
0x3d: {  	[tilespmem:s1], [sflag:$0x1] =	stream.indirect_vreg.gather [hbm4b:s4+s2], $0x80, v3, vm0, $0xb8;
	[tilespmem:$0x10080] =	vst v63  }
0x3e: {  	_ = 	snop  }
0x3f: {  	[tilespmem:s10], [sflag:$0x1] =	stream.indirect_vreg.gather [hbm4b:s5+s2], $0x80, v3, vm0, $0xb8;
	[tilespmem:$0x10080] =	vst v63  }
0x40: {  	_ = 	snop  }
0x41: {  	[tilespmem:s11], [sflag:$0x1] =	stream.indirect_vreg.gather [hbm4b:s6+s2], $0x80, v3, vm0, $0xb8;
	[tilespmem:$0x10080] =	vst v63  }
0x42: {  	v3 =	vld [tilespmem:$0x20];
	_ =	sdelay $0x4  }
0x43: {  	v58 =	vshll.u32 v3, $0x3  }
0x44: {  	v3 =	vand.u32 $0x7, v3;
	v4 =	vand.u32 $0xFFFFFFC0, v58  }
0x45: {  	v3 =	vor.u32 v3, v4  }
0x46: {  	v4 =	vperm.xlane v3, v0;
	_ =	sdelay $0x1  }
0x47: {  	v4 =	vadd.s32 v1, v4;
	_ =	sdelay $0x4  }
0x48: {  	[tilespmem:s12], [sflag:$0x1] =	stream.indirect_vreg.gather [hbm4b:s3+s2], $0x80, v4, vm0, $0xb8;
	[tilespmem:$0x10080] =	vst v63  }
0x49: {  	v3 =	vperm.xlane v3, v2  }
0x4a: {  	[tilespmem:s13], [sflag:$0x1] =	stream.indirect_vreg.gather [hbm4b:s4+s2], $0x80, v4, vm0, $0xb8;
	[tilespmem:$0x10080] =	vst v63  }
0x4b: {  	v3 =	vadd.s32 v1, v3  }
0x4c: {  	[tilespmem:s14], [sflag:$0x1] =	stream.indirect_vreg.gather [hbm4b:s5+s2], $0x80, v4, vm0, $0xb8;
	[tilespmem:$0x10080] =	vst v63  }
0x4d: {  	_ = 	snop  }
0x4e: {  	[tilespmem:s15], [sflag:$0x1] =	stream.indirect_vreg.gather [hbm4b:s6+s2], $0x80, v4, vm0, $0xb8;
	[tilespmem:$0x10080] =	vst v63  }
0x4f: {  	_ = 	snop  }
0x50: {  	[tilespmem:s16], [sflag:$0x1] =	stream.indirect_vreg.gather [hbm4b:s3+s2], $0x80, v3, vm0, $0xb8;
	[tilespmem:$0x10080] =	vst v63  }
0x51: {  	_ = 	snop  }
0x52: {  	[tilespmem:s17], [sflag:$0x1] =	stream.indirect_vreg.gather [hbm4b:s4+s2], $0x80, v3, vm0, $0xb8;
	[tilespmem:$0x10080] =	vst v63  }
0x53: {  	_ = 	snop  }
0x54: {  	[tilespmem:s9], [sflag:$0x1] =	stream.indirect_vreg.gather [hbm4b:s5+s2], $0x80, v3, vm0, $0xb8;
	[tilespmem:$0x10080] =	vst v63  }
0x55: {  	s19 =	simm.s32 $0xB880  }
0x56: {  	[tilespmem:s19], [sflag:$0x1] =	stream.indirect_vreg.gather [hbm4b:s6+s2], $0x80, v3, vm0, $0xb8;
	[tilespmem:$0x10080] =	vst v63  }
0x57: {  	v3 =	vld [tilespmem:$0x30];
	_ =	sdelay $0x4  }
0x58: {  	v59 =	vshll.u32 v3, $0x3  }
0x59: {  	v3 =	vand.u32 $0x7, v3;
	v4 =	vand.u32 $0xFFFFFFC0, v59  }
0x5a: {  	v3 =	vor.u32 v3, v4  }
0x5b: {  	v4 =	vperm.xlane v3, v0;
	_ =	sdelay $0x1  }
0x5c: {  	v4 =	vadd.s32 v1, v4;
	_ =	sdelay $0x3  }
0x5d: {  	s19 =	simm.s32 $0xC080  }
0x5e: {  	[tilespmem:s19], [sflag:$0x1] =	stream.indirect_vreg.gather [hbm4b:s3+s2], $0x80, v4, vm0, $0xb8;
	[tilespmem:$0x10080] =	vst v63  }
0x5f: {  	v3 =	vperm.xlane v3, v2;
	s19 =	simm.s32 $0xC880  }
0x60: {  	[tilespmem:s19], [sflag:$0x1] =	stream.indirect_vreg.gather [hbm4b:s4+s2], $0x80, v4, vm0, $0xb8;
	[tilespmem:$0x10080] =	vst v63  }
0x61: {  	v3 =	vadd.s32 v1, v3;
	s19 =	simm.s32 $0xD080  }
0x62: {  	[tilespmem:s19], [sflag:$0x1] =	stream.indirect_vreg.gather [hbm4b:s5+s2], $0x80, v4, vm0, $0xb8;
	[tilespmem:$0x10080] =	vst v63  }
0x63: {  	s19 =	simm.s32 $0xD880  }
0x64: {  	[tilespmem:s19], [sflag:$0x1] =	stream.indirect_vreg.gather [hbm4b:s6+s2], $0x80, v4, vm0, $0xb8;
	[tilespmem:$0x10080] =	vst v63  }
0x65: {  	s19 =	simm.s32 $0xE080  }
0x66: {  	[tilespmem:s19], [sflag:$0x1] =	stream.indirect_vreg.gather [hbm4b:s3+s2], $0x80, v3, vm0, $0xb8;
	[tilespmem:$0x10080] =	vst v63  }
0x67: {  	s19 =	simm.s32 $0xE880  }
0x68: {  	[tilespmem:s19], [sflag:$0x1] =	stream.indirect_vreg.gather [hbm4b:s4+s2], $0x80, v3, vm0, $0xb8;
	[tilespmem:$0x10080] =	vst v63  }
0x69: {  	s19 =	simm.s32 $0xF080  }
0x6a: {  	[tilespmem:s19], [sflag:$0x1] =	stream.indirect_vreg.gather [hbm4b:s5+s2], $0x80, v3, vm0, $0xb8;
	[tilespmem:$0x10080] =	vst v63  }
0x6b: {  	s19 =	simm.s32 $0xF880  }
0x6c: {  	[tilespmem:s19], [sflag:$0x1] =	stream.indirect_vreg.gather [hbm4b:s6+s2], $0x80, v3, vm0, $0xb8;
	[tilespmem:$0x10080] =	vst v63  }
0x6d: {  	_ =	swait.ge [sflag:s18], $0x10000  }
0x6e: {  	[sflag:s18] =	ssyncset.done $0x0  }
0x6f: {  	s19 =	rddreg [dreg:$0x3];
	[sflag:s18] =	ssyncadd.s32 $0xFFFF0000  }
0x70: {  	[hbm4b:s19+s2] =	stream.linear.scatter [tilespmem:s0], [sflag:$0x2], $0x10000, $0x38;
	[tilespmem:$0x10080] =	vst v63  }
0x71: {  	_ =	swait.ge [sflag:s8], $0x10000  }
0x72: {  	[sflag:s8] =	ssyncset.done $0x0  }
0x73: {  	s19 =	rddreg [dreg:$0x4];
	[sflag:s8] =	ssyncadd.s32 $0xFFFF0000  }
0x74: {  	[tilespmem:s2], [sflag:$0x2] =	stream.linear.gather [hbm4b:s19+s2], $0x40, $0x38;
	[tilespmem:$0x10080] =	vst v63  }
0x75: {  	_ =	swait.ge [sflag:s8], $0x40  }
0x76: {  	[sflag:s8] =	ssyncset.done $0x0  }
0x77: {  	[sflag:s8] =	ssyncadd.s32 $0xFFFFFFC0  }
0x78: {  	v3 =	vld [tilespmem:$0x0];
	_ =	sdelay $0x4  }
0x79: {  	v60 =	vshll.u32 v3, $0x3  }
0x7a: {  	v3 =	vand.u32 $0x7, v3;
	v4 =	vand.u32 $0xFFFFFFC0, v60  }
0x7b: {  	v3 =	vor.u32 v3, v4  }
0x7c: {  	v4 =	vperm.xlane v3, v0;
	_ =	sdelay $0x1  }
0x7d: {  	v4 =	vadd.s32 v1, v4;
	_ =	sdelay $0x4  }
0x7e: {  	[tilespmem:s0], [sflag:$0x1] =	stream.indirect_vreg.gather [hbm4b:s3+s2], $0x80, v4, vm0, $0xb8;
	[tilespmem:$0x10080] =	vst v63  }
0x7f: {  	v3 =	vperm.xlane v3, v2  }
0x80: {  	[tilespmem:s20], [sflag:$0x1] =	stream.indirect_vreg.gather [hbm4b:s4+s2], $0x80, v4, vm0, $0xb8;
	[tilespmem:$0x10080] =	vst v63  }
0x81: {  	v3 =	vadd.s32 v1, v3  }
0x82: {  	[tilespmem:s21], [sflag:$0x1] =	stream.indirect_vreg.gather [hbm4b:s5+s2], $0x80, v4, vm0, $0xb8;
	[tilespmem:$0x10080] =	vst v63  }
0x83: {  	_ = 	snop  }
0x84: {  	[tilespmem:s22], [sflag:$0x1] =	stream.indirect_vreg.gather [hbm4b:s6+s2], $0x80, v4, vm0, $0xb8;
	[tilespmem:$0x10080] =	vst v63  }
0x85: {  	_ = 	snop  }
0x86: {  	[tilespmem:s23], [sflag:$0x1] =	stream.indirect_vreg.gather [hbm4b:s3+s2], $0x80, v3, vm0, $0xb8;
	[tilespmem:$0x10080] =	vst v63  }
0x87: {  	_ = 	snop  }
0x88: {  	[tilespmem:s24], [sflag:$0x1] =	stream.indirect_vreg.gather [hbm4b:s4+s2], $0x80, v3, vm0, $0xb8;
	[tilespmem:$0x10080] =	vst v63  }
0x89: {  	_ = 	snop  }
0x8a: {  	[tilespmem:s25], [sflag:$0x1] =	stream.indirect_vreg.gather [hbm4b:s5+s2], $0x80, v3, vm0, $0xb8;
	[tilespmem:$0x10080] =	vst v63  }
0x8b: {  	_ = 	snop  }
0x8c: {  	[tilespmem:s26], [sflag:$0x1] =	stream.indirect_vreg.gather [hbm4b:s6+s2], $0x80, v3, vm0, $0xb8;
	[tilespmem:$0x10080] =	vst v63  }
0x8d: {  	v3 =	vld [tilespmem:$0x10];
	_ =	sdelay $0x4  }
0x8e: {  	v61 =	vshll.u32 v3, $0x3  }
0x8f: {  	v3 =	vand.u32 $0x7, v3;
	v4 =	vand.u32 $0xFFFFFFC0, v61  }
0x90: {  	v3 =	vor.u32 v3, v4  }
0x91: {  	v4 =	vperm.xlane v3, v0;
	_ =	sdelay $0x1  }
0x92: {  	v4 =	vadd.s32 v1, v4;
	_ =	sdelay $0x4  }
0x93: {  	[tilespmem:s28], [sflag:$0x1] =	stream.indirect_vreg.gather [hbm4b:s3+s2], $0x80, v4, vm0, $0xb8;
	[tilespmem:$0x10080] =	vst v63  }
0x94: {  	v3 =	vperm.xlane v3, v2  }
0x95: {  	[tilespmem:s29], [sflag:$0x1] =	stream.indirect_vreg.gather [hbm4b:s4+s2], $0x80, v4, vm0, $0xb8;
	[tilespmem:$0x10080] =	vst v63  }
0x96: {  	v3 =	vadd.s32 v1, v3  }
0x97: {  	[tilespmem:s30], [sflag:$0x1] =	stream.indirect_vreg.gather [hbm4b:s5+s2], $0x80, v4, vm0, $0xb8;
	[tilespmem:$0x10080] =	vst v63  }
0x98: {  	_ = 	snop  }
0x99: {  	[tilespmem:s31], [sflag:$0x1] =	stream.indirect_vreg.gather [hbm4b:s6+s2], $0x80, v4, vm0, $0xb8;
	[tilespmem:$0x10080] =	vst v63  }
0x9a: {  	s19 =	simm.s32 $0x6080  }
0x9b: {  	[tilespmem:s19], [sflag:$0x1] =	stream.indirect_vreg.gather [hbm4b:s3+s2], $0x80, v3, vm0, $0xb8;
	[tilespmem:$0x10080] =	vst v63  }
0x9c: {  	_ = 	snop  }
0x9d: {  	[tilespmem:s1], [sflag:$0x1] =	stream.indirect_vreg.gather [hbm4b:s4+s2], $0x80, v3, vm0, $0xb8;
	[tilespmem:$0x10080] =	vst v63  }
0x9e: {  	_ = 	snop  }
0x9f: {  	[tilespmem:s10], [sflag:$0x1] =	stream.indirect_vreg.gather [hbm4b:s5+s2], $0x80, v3, vm0, $0xb8;
	[tilespmem:$0x10080] =	vst v63  }
0xa0: {  	_ = 	snop  }
0xa1: {  	[tilespmem:s11], [sflag:$0x1] =	stream.indirect_vreg.gather [hbm4b:s6+s2], $0x80, v3, vm0, $0xb8;
	[tilespmem:$0x10080] =	vst v63  }
0xa2: {  	v3 =	vld [tilespmem:$0x20];
	_ =	sdelay $0x4  }
0xa3: {  	v62 =	vshll.u32 v3, $0x3  }
0xa4: {  	v3 =	vand.u32 $0x7, v3;
	v4 =	vand.u32 $0xFFFFFFC0, v62  }
0xa5: {  	v3 =	vor.u32 v3, v4  }
0xa6: {  	v4 =	vperm.xlane v3, v0;
	_ =	sdelay $0x1  }
0xa7: {  	v4 =	vadd.s32 v1, v4;
	_ =	sdelay $0x4  }
0xa8: {  	[tilespmem:s12], [sflag:$0x1] =	stream.indirect_vreg.gather [hbm4b:s3+s2], $0x80, v4, vm0, $0xb8;
	[tilespmem:$0x10080] =	vst v63  }
0xa9: {  	v3 =	vperm.xlane v3, v2  }
0xaa: {  	[tilespmem:s13], [sflag:$0x1] =	stream.indirect_vreg.gather [hbm4b:s4+s2], $0x80, v4, vm0, $0xb8;
	[tilespmem:$0x10080] =	vst v63  }
0xab: {  	v3 =	vadd.s32 v1, v3  }
0xac: {  	[tilespmem:s14], [sflag:$0x1] =	stream.indirect_vreg.gather [hbm4b:s5+s2], $0x80, v4, vm0, $0xb8;
	[tilespmem:$0x10080] =	vst v63  }
0xad: {  	_ = 	snop  }
0xae: {  	[tilespmem:s15], [sflag:$0x1] =	stream.indirect_vreg.gather [hbm4b:s6+s2], $0x80, v4, vm0, $0xb8;
	[tilespmem:$0x10080] =	vst v63  }
0xaf: {  	_ = 	snop  }
0xb0: {  	[tilespmem:s16], [sflag:$0x1] =	stream.indirect_vreg.gather [hbm4b:s3+s2], $0x80, v3, vm0, $0xb8;
	[tilespmem:$0x10080] =	vst v63  }
0xb1: {  	_ = 	snop  }
0xb2: {  	[tilespmem:s17], [sflag:$0x1] =	stream.indirect_vreg.gather [hbm4b:s4+s2], $0x80, v3, vm0, $0xb8;
	[tilespmem:$0x10080] =	vst v63  }
0xb3: {  	_ = 	snop  }
0xb4: {  	[tilespmem:s9], [sflag:$0x1] =	stream.indirect_vreg.gather [hbm4b:s5+s2], $0x80, v3, vm0, $0xb8;
	[tilespmem:$0x10080] =	vst v63  }
0xb5: {  	s19 =	simm.s32 $0xB880  }
0xb6: {  	[tilespmem:s19], [sflag:$0x1] =	stream.indirect_vreg.gather [hbm4b:s6+s2], $0x80, v3, vm0, $0xb8;
	[tilespmem:$0x10080] =	vst v63  }
0xb7: {  	v3 =	vld [tilespmem:$0x30];
	_ =	sdelay $0x4  }
0xb8: {  	v63 =	vshll.u32 v3, $0x3  }
0xb9: {  	v3 =	vand.u32 $0x7, v3;
	v4 =	vand.u32 $0xFFFFFFC0, v63  }
0xba: {  	v3 =	vor.u32 v3, v4  }
0xbb: {  	v4 =	vperm.xlane v3, v0;
	_ =	sdelay $0x1  }
0xbc: {  	v4 =	vadd.s32 v1, v4;
	_ =	sdelay $0x3  }
0xbd: {  	s19 =	simm.s32 $0xC080  }
0xbe: {  	[tilespmem:s19], [sflag:$0x1] =	stream.indirect_vreg.gather [hbm4b:s3+s2], $0x80, v4, vm0, $0xb8;
	[tilespmem:$0x10080] =	vst v63  }
0xbf: {  	v3 =	vperm.xlane v3, v2;
	s19 =	simm.s32 $0xC880  }
0xc0: {  	[tilespmem:s19], [sflag:$0x1] =	stream.indirect_vreg.gather [hbm4b:s4+s2], $0x80, v4, vm0, $0xb8;
	[tilespmem:$0x10080] =	vst v63  }
0xc1: {  	v3 =	vadd.s32 v1, v3;
	s19 =	simm.s32 $0xD080  }
0xc2: {  	[tilespmem:s19], [sflag:$0x1] =	stream.indirect_vreg.gather [hbm4b:s5+s2], $0x80, v4, vm0, $0xb8;
	[tilespmem:$0x10080] =	vst v63  }
0xc3: {  	s19 =	simm.s32 $0xD880  }
0xc4: {  	[tilespmem:s19], [sflag:$0x1] =	stream.indirect_vreg.gather [hbm4b:s6+s2], $0x80, v4, vm0, $0xb8;
	[tilespmem:$0x10080] =	vst v63  }
0xc5: {  	s19 =	simm.s32 $0xE080  }
0xc6: {  	[tilespmem:s19], [sflag:$0x1] =	stream.indirect_vreg.gather [hbm4b:s3+s2], $0x80, v3, vm0, $0xb8;
	[tilespmem:$0x10080] =	vst v63  }
0xc7: {  	s19 =	simm.s32 $0xE880  }
0xc8: {  	[tilespmem:s19], [sflag:$0x1] =	stream.indirect_vreg.gather [hbm4b:s4+s2], $0x80, v3, vm0, $0xb8;
	[tilespmem:$0x10080] =	vst v63  }
0xc9: {  	s19 =	simm.s32 $0xF080  }
0xca: {  	[tilespmem:s19], [sflag:$0x1] =	stream.indirect_vreg.gather [hbm4b:s5+s2], $0x80, v3, vm0, $0xb8;
	[tilespmem:$0x10080] =	vst v63  }
0xcb: {  	s19 =	simm.s32 $0xF880  }
0xcc: {  	[tilespmem:s19], [sflag:$0x1] =	stream.indirect_vreg.gather [hbm4b:s6+s2], $0x80, v3, vm0, $0xb8;
	[tilespmem:$0x10080] =	vst v63  }
0xcd: {  	_ =	swait.ge [sflag:s18], $0x10000  }
0xce: {  	p0 =	sne.s32 s7, $0x1;
	[sflag:s18] =	ssyncset.done $0x0  }
.Ltmp0:
0xcf: {  	s1 =	rddreg [dreg:$0x5];
	[sflag:s18] =	ssyncadd.s32 $0xFFFF0000;
	(pc) =	sbr.rel @p0 .LBB2_1-.Ltmp0, $4  }
0xd0: {  	[hbm4b:s1+s2] =	stream.linear.scatter [tilespmem:s0], [sflag:$0x2], $0x10000, $0x38;
	[tilespmem:$0x10080] =	vst v63  }
0xd1: {  	_ =	swait.ge [sflag:s8], $0x10000  }
0xd2: {  	[sflag:s8] =	ssyncset.done $0x0  }
0xd3: {  	s7 =	sadd.s32 $0xFFFFFFFF, s7;
	[sflag:s8] =	ssyncadd.s32 $0xFFFF0000  }
0xd4: {  	_ =	sfence.sel $0x180000  }
0xd5: {  	[bflag:$0x0] =	sbarrier.arrive $0xFFFF  }
0xd6: {  	_ =	strace $0x90000050  }
0xd7: {  	s0 =	stileid.u32;
	[bflag:$0x2] =	sbarrier.arrive $0xFFFF  }
0xd8: {  	p0 =	sne.s32 s0, $0x0;
	s0 =	rddreg [dreg:$0x1]  }
0xd9: {  	s0 =	sadd.s32 @!p0 $0x100000, s0  }
0xda: {  	[sflag:s0] =	ssyncadd.tile.s32 @!p0 $0x1;
	_ =	shalt  }
.Lfunc_end2:
_tile_overlayer_lowered:
.L_overlay_start_2:
0xdb: {  	(tag) =	ssettag $0x2  }
0xdc: {  	s0 =	rddreg [dreg:$0x0];
	s2 =	stileid.u32  }
0xdd: {  	s1 =	rddreg [dreg:$0x1];
	p0 =	sne.s32 s2, $0x0  }
0xde: {  	s3 =	rddreg [dreg:$0x2];
	[bflag:$0x3] =	sbarrier.arrive $0xFFFF;
	s2 =	simm.s32 @!p0 $0x1C02  }
0xdf: {  	[timem:s3], [sflag:s2] =	dma.local @!p0 [hbm:s0], s1  }
0xe0: {  	s0 =	simm.s32 @!p0 $0x2  }
0xe1: {  	_ =	swait.ge @!p0 [sflag:s0], s1  }
0xe2: {  	s1 =	ssub.s32 @!p0 $0x0, s1;
	[sflag:s0] =	ssyncset.done @!p0 $0x0  }
0xe3: {  	[sflag:s0] =	ssyncadd.s32 @!p0 s1  }
0xe4: {  	[bflag:$0x3] =	sbarrier.arrive $0xFFFF  }
0xe5: {  	_ =	shalt  }

</sc_bundles>
